<compile_context>
chip_gen: v7x
topology: tpu7x:2x2x1
jax: 0.10.2.dev20260603
libtpu: 0.0.44.dev20260713+nightly
codegen_flags: <defaults>
</compile_context>

<pallas_src>
import functools

import jax
import jax.numpy as jnp
from jax import lax
from jax.experimental import pallas as pl
from jax.experimental.pallas import tpu as pltpu
from jax.experimental.pallas import tpu_sc as plsc

_N = 10000
_E = 320000
_IN = 128
_OUT = 128
_R = 16
_B = 4

_TN = 400
_NT = _N // _TN

_NC = 2
_NS = 16
_NW = _NC * _NS
_EPW = 10000
_W = 80
_HW = _W // 2
_KW = _EPW // _W
_SW = 25
_NSC = _KW // _SW
_ND = 3
_NPAD = 10240
_RPS = _NPAD // _NS


def _h_body(x_ref, bases_ref, coeff_ref, wselft_ref, b_ref, h_ref, self_ref,
            wbig_ref):
    n = pl.program_id(0)

    @pl.when(n == 0)
    def _():
        for r in range(_R):
            w = (coeff_ref[r, 0] * bases_ref[0]
                 + coeff_ref[r, 1] * bases_ref[1]
                 + coeff_ref[r, 2] * bases_ref[2]
                 + coeff_ref[r, 3] * bases_ref[3])
            wbig_ref[:, r * _OUT:(r + 1) * _OUT] = w.astype(jnp.bfloat16)
        wbig_ref[:, _R * _OUT:] = wselft_ref[...].astype(jnp.bfloat16)

    x = x_ref[...].astype(jnp.bfloat16)
    h = lax.dot_general(x, wbig_ref[...], (((1,), (0,)), ((), ())),
                        preferred_element_type=jnp.float32)
    for r in range(_R):
        h_ref[r] = h[:, r * _OUT:(r + 1) * _OUT]
    self_ref[...] = h[:, _R * _OUT:] + b_ref[...]


def _h_pallas(x, bases, coeff, wself_t, b2d):
    return pl.pallas_call(
        _h_body,
        grid=(_NT,),
        in_specs=[
            pl.BlockSpec((_TN, _IN), lambda n: (n, 0)),
            pl.BlockSpec((_B, _IN, _OUT), lambda n: (0, 0, 0)),
            pl.BlockSpec(memory_space=pltpu.SMEM),
            pl.BlockSpec((_IN, _OUT), lambda n: (0, 0)),
            pl.BlockSpec((1, _OUT), lambda n: (0, 0)),
        ],
        out_specs=[
            pl.BlockSpec((_R, _TN, _OUT), lambda n: (0, n, 0)),
            pl.BlockSpec((_TN, _OUT), lambda n: (n, 0)),
        ],
        out_shape=[
            jax.ShapeDtypeStruct((_R, _N, _OUT), jnp.float32),
            jax.ShapeDtypeStruct((_N, _OUT), jnp.float32),
        ],
        scratch_shapes=[
            pltpu.VMEM((_IN, (_R + 1) * _OUT), jnp.bfloat16),
        ],
    )(x, bases, coeff, wself_t, b2d)


def _sc_body(h_hbm, ei_hbm, et_hbm, out_hbm,
             idx_v, et_v, tgt_v, gb0, gb1, gb2, acc_sh,
             sm00, sm01, sm10, sm11, sm20, sm21):
    c = lax.axis_index("c")
    s = lax.axis_index("s")
    wid = s * _NC + c
    bufs = [gb0, gb1, gb2]
    sems = [(sm00, sm01), (sm10, sm11), (sm20, sm21)]

    def _start_gather(j, b):
        pltpu.async_copy(h_hbm.at[idx_v.at[j, pl.ds(0, _HW)]],
                         bufs[b].at[pl.ds(0, _HW)], sems[b][0])
        pltpu.async_copy(h_hbm.at[idx_v.at[j, pl.ds(_HW, _HW)]],
                         bufs[b].at[pl.ds(_HW, _HW)], sems[b][1])

    def _finish_window(j, b):
        pltpu.make_async_copy(h_hbm.at[idx_v.at[j, pl.ds(0, _HW)]],
                              bufs[b].at[pl.ds(0, _HW)], sems[b][0]).wait()
        pltpu.make_async_copy(h_hbm.at[idx_v.at[j, pl.ds(_HW, _HW)]],
                              bufs[b].at[pl.ds(_HW, _HW)], sems[b][1]).wait()
        pltpu.sync_copy(bufs[b], acc_sh.at[tgt_v.at[j]], add=True)

    @pl.loop(0, _W)
    def _(rr):
        for cc in range(_OUT // 16):
            gb0[rr, pl.ds(cc * 16, 16)] = jnp.zeros((16,), jnp.float32)

    @pl.loop(0, _RPS // _W)
    def _(k):
        pltpu.sync_copy(gb0, acc_sh.at[pl.ds(s * _RPS + k * _W, _W)])
    plsc.subcore_barrier()

    @pl.loop(0, _NSC)
    def _(q):
        pltpu.sync_copy(ei_hbm.at[0, wid, q], idx_v)
        pltpu.sync_copy(et_hbm.at[wid, q], et_v)
        pltpu.sync_copy(ei_hbm.at[1, wid, q], tgt_v)

        @pl.loop(0, _SW)
        def _(j):
            for cc in range(_W // 16):
                sl = pl.ds(cc * 16, 16)
                idx_v[j, sl] = idx_v[j, sl] + et_v[j, sl] * _N

        for b in range(_ND):
            _start_gather(b, b)

        @pl.loop(0, _SW // _ND)
        def _(g):
            for b in range(_ND):
                j = _ND * g + b
                _finish_window(j, b)

                @pl.when(j + _ND < _SW)
                def _(b=b, j=j):
                    _start_gather(j + _ND, b)

        for j in range(_ND * (_SW // _ND), _SW):
            _finish_window(j, j % _ND)

    plsc.subcore_barrier()

    pltpu.sync_copy(acc_sh.at[pl.ds(s * _RPS, _RPS)],
                    out_hbm.at[c].at[pl.ds(s * _RPS, _RPS)])


_sc_scatter = functools.partial(
    pl.kernel,
    out_type=jax.ShapeDtypeStruct((_NC, _NPAD, _OUT), jnp.float32),
    mesh=plsc.VectorSubcoreMesh(core_axis_name="c", subcore_axis_name="s"),
    scratch_types=[
        pltpu.VMEM((_SW, _W), jnp.int32),
        pltpu.VMEM((_SW, _W), jnp.int32),
        pltpu.VMEM((_SW, _W), jnp.int32),
        pltpu.VMEM((_W, _OUT), jnp.float32),
        pltpu.VMEM((_W, _OUT), jnp.float32),
        pltpu.VMEM((_W, _OUT), jnp.float32),
        pltpu.VMEM_SHARED((_NPAD, _OUT), jnp.float32),
        pltpu.SemaphoreType.DMA,
        pltpu.SemaphoreType.DMA,
        pltpu.SemaphoreType.DMA,
        pltpu.SemaphoreType.DMA,
        pltpu.SemaphoreType.DMA,
        pltpu.SemaphoreType.DMA,
    ],
)(_sc_body)


def _relu_body(self_ref, acc_ref, out_ref):
    out_ref[...] = jnp.maximum(self_ref[...] + acc_ref[0] + acc_ref[1], 0.0)


_TR = 2000


def _relu_pallas(self_out, acc):
    return pl.pallas_call(
        _relu_body,
        grid=(_N // _TR,),
        in_specs=[
            pl.BlockSpec((_TR, _OUT), lambda n: (n, 0)),
            pl.BlockSpec((_NC, _TR, _OUT), lambda n: (0, n, 0)),
        ],
        out_specs=pl.BlockSpec((_TR, _OUT), lambda n: (n, 0)),
        out_shape=jax.ShapeDtypeStruct((_N, _OUT), jnp.float32),
    )(self_out, acc)


def kernel(node_features, edge_index, edge_type, W_self_w, W_self_b,
           bases, coefficients):
    h, self_out = _h_pallas(node_features, bases, coefficients,
                            W_self_w.T, W_self_b.reshape(1, _OUT))
    ei = edge_index.reshape(2, _NW, _NSC, _SW, _W)
    et = edge_type.reshape(_NW, _NSC, _SW, _W)
    acc = _sc_scatter(h.reshape(_R * _N, _OUT), ei, et)
    return _relu_pallas(self_out, acc)

# --- scband reference (transcript-rebuilt; emitter-appended) ---
"""Pipeline reference for scband-rgcnlayer-10342281248977 (READ-ONLY COPY).

The authoritative reference and input builder live on the scoring server;
editing this copy changes nothing except your own understanding.
"""

import jax, jax.numpy as jnp
import numpy as np

N = 10000
E = 320000
IN_DIM = 128
OUT_DIM = 128
N_REL = 16
N_BASES = 4


def setup_inputs(seed: int = 0) -> dict:
    key = jax.random.key(seed)
    ks = jax.random.split(key, 7)
    node_features = jax.random.normal(ks[0], (N, IN_DIM), dtype=jnp.float32)
    edge_index = jax.random.randint(ks[1], (2, E), 0, N, dtype=jnp.int32)
    edge_type = jax.random.randint(ks[2], (E,), 0, N_REL, dtype=jnp.int32)
    # learned params (xavier-ish scaling)
    W_self_w = jax.random.normal(ks[3], (OUT_DIM, IN_DIM), dtype=jnp.float32) * (1.0 / np.sqrt(IN_DIM))
    W_self_b = jnp.zeros((OUT_DIM,), dtype=jnp.float32)
    bases = jax.random.normal(ks[4], (N_BASES, IN_DIM, OUT_DIM), dtype=jnp.float32) * np.sqrt(2.0 / (IN_DIM + OUT_DIM))
    coefficients = jax.random.normal(ks[5], (N_REL, N_BASES), dtype=jnp.float32) * np.sqrt(2.0 / (N_REL + N_BASES))
    return {
        'node_features': node_features,
        'edge_index': edge_index,
        'edge_type': edge_type,
        'W_self_w': W_self_w,
        'W_self_b': W_self_b,
        'bases': bases,
        'coefficients': coefficients,
    }


def reference(node_features, edge_index, edge_type, W_self_w, W_self_b, bases, coefficients):
    # self-loop transform: nn.Linear -> x @ W.T + b
    out = node_features @ W_self_w.T + W_self_b
    # basis decomposition: W_r = sum_b a_{rb} * B_b  for all relations at once
    W_all = jnp.einsum('rb,bij->rij', coefficients, bases)          # (R, in, out)
    # equivalent to msg = node_features[src] @ W_{edge_type}:
    # precompute H_r = X @ W_r for all r, then gather per-edge
    H_all = jnp.einsum('ni,rij->rnj', node_features, W_all)         # (R, N, out)
    src = edge_index[0]
    tgt = edge_index[1]
    msg = H_all[edge_type, src]                                     # (E, out) gather
    out = out.at[tgt].add(msg)                                      # scatter-add into out
    # NOTE: original torch code computes deg/norm but never applies it (dead code),
    # so no normalization here. Dropout is identity in eval mode.
    out = jax.nn.relu(out)
    return out

if __name__ == "__main__":
    import jax
    _d = setup_inputs()
    print(jax.jit(kernel)(*tuple(_d.values())))

</pallas_src>

<mosaic_0001>
#map = affine_map<(d0, d1) -> (0, 0)>
#map1 = affine_map<(d0, d1) -> (0, 0, 0, 0, 0)>
#map2 = affine_map<(d0, d1) -> (0, 0, 0, 0)>
#map3 = affine_map<(d0, d1) -> (0, 0, 0)>
module attributes {stable_mosaic.version = 14 : i64} {
  func.func @_sc_body(%arg0: i32, %arg1: i32, %arg2: memref<160000x128xf32, #tpu.memory_space<hbm>>, %arg3: memref<2x32x5x25x80xi32, #tpu.memory_space<hbm>>, %arg4: memref<32x5x25x80xi32, #tpu.memory_space<hbm>>, %arg5: memref<2x10240x128xf32, #tpu.memory_space<hbm>>, %arg6: memref<25x80xi32, #tpu.memory_space<vmem>>, %arg7: memref<25x80xi32, #tpu.memory_space<vmem>>, %arg8: memref<25x80xi32, #tpu.memory_space<vmem>>, %arg9: memref<80x128xf32, #tpu.memory_space<vmem>>, %arg10: memref<80x128xf32, #tpu.memory_space<vmem>>, %arg11: memref<80x128xf32, #tpu.memory_space<vmem>>, %arg12: memref<10240x128xf32, #tpu.memory_space<vmem_shared>>, %arg13: memref<!tpu.dma_semaphore, #tpu.memory_space<semaphore_mem>>, %arg14: memref<!tpu.dma_semaphore, #tpu.memory_space<semaphore_mem>>, %arg15: memref<!tpu.dma_semaphore, #tpu.memory_space<semaphore_mem>>, %arg16: memref<!tpu.dma_semaphore, #tpu.memory_space<semaphore_mem>>, %arg17: memref<!tpu.dma_semaphore, #tpu.memory_space<semaphore_mem>>, %arg18: memref<!tpu.dma_semaphore, #tpu.memory_space<semaphore_mem>>) attributes {dimension_semantics = [#tpu.dimension_semantics<core_parallel>, #tpu.dimension_semantics<subcore_parallel>], iteration_bounds = array<i64: 2, 16>, scalar_prefetch = 0 : i64, scratch_operands = 13 : i64, tpu.core_type = #tpu.core_type<sc_vector_subcore>, window_params = [{transform_indices = #map}, {transform_indices = #map1}, {transform_indices = #map2}, {transform_indices = #map3}]} {
    %mul3A = arith.constant 2 : i32
    %mul3A_0 = arith.muli %arg1, %mul3A : i32
    %add3A = arith.addi %mul3A_0, %arg0 : i32
    %scan3A = arith.constant 0 : i32
    %scan3A_1 = arith.constant 80 : i32
    %scan3A_2 = arith.addi %scan3A, %scan3A_1 : i32
    %scan3A_3 = arith.constant 1 : i32
    scf.for %scan3A_20 = %scan3A to %scan3A_2 step %scan3A_3  : i32 {
      %mul3A_21 = arith.constant 1 : i32
      %mul3A_22 = arith.muli %scan3A_20, %mul3A_21 : i32
      %add3A_23 = arith.constant 0 : i32
      %add3A_24 = arith.addi %add3A_23, %mul3A_22 : i32
      %broadcast_in_dim3A = arith.constant 0.000000e+00 : f32
      %broadcast_in_dim3A_25 = vector.broadcast %broadcast_in_dim3A : f32 to vector<16xf32>
      %swap3A = arith.index_cast %add3A_24 : i32 to index
      %swap3A_26 = arith.constant 0 : index
      %swap3A_27 = tpu.vector_load %arg9[%swap3A, %swap3A_26] {strides = array<i32>} : memref<80x128xf32, #tpu.memory_space<vmem>>, vector<1x16xf32>,
      %swap3A_28 = vector.shape_cast %swap3A_27 : vector<1x16xf32> to vector<16xf32>
      %swap3A_29 = vector.shape_cast %broadcast_in_dim3A_25 : vector<16xf32> to vector<1x16xf32>
      tpu.vector_store %arg9[%swap3A, %swap3A_26], %swap3A_29 {strides = array<i32>} : memref<80x128xf32, #tpu.memory_space<vmem>>, vector<1x16xf32>,
      %broadcast_in_dim3A_30 = arith.constant 0.000000e+00 : f32
      %broadcast_in_dim3A_31 = vector.broadcast %broadcast_in_dim3A_30 : f32 to vector<16xf32>
      %swap3A_32 = arith.index_cast %add3A_24 : i32 to index
      %swap3A_33 = arith.constant 16 : index
      %swap3A_34 = tpu.vector_load %arg9[%swap3A_32, %swap3A_33] {strides = array<i32>} : memref<80x128xf32, #tpu.memory_space<vmem>>, vector<1x16xf32>,
      %swap3A_35 = vector.shape_cast %swap3A_34 : vector<1x16xf32> to vector<16xf32>
      %swap3A_36 = vector.shape_cast %broadcast_in_dim3A_31 : vector<16xf32> to vector<1x16xf32>
      tpu.vector_store %arg9[%swap3A_32, %swap3A_33], %swap3A_36 {strides = array<i32>} : memref<80x128xf32, #tpu.memory_space<vmem>>, vector<1x16xf32>,
      %broadcast_in_dim3A_37 = arith.constant 0.000000e+00 : f32
      %broadcast_in_dim3A_38 = vector.broadcast %broadcast_in_dim3A_37 : f32 to vector<16xf32>
      %swap3A_39 = arith.index_cast %add3A_24 : i32 to index
      %swap3A_40 = arith.constant 32 : index
      %swap3A_41 = tpu.vector_load %arg9[%swap3A_39, %swap3A_40] {strides = array<i32>} : memref<80x128xf32, #tpu.memory_space<vmem>>, vector<1x16xf32>,
      %swap3A_42 = vector.shape_cast %swap3A_41 : vector<1x16xf32> to vector<16xf32>
      %swap3A_43 = vector.shape_cast %broadcast_in_dim3A_38 : vector<16xf32> to vector<1x16xf32>
      tpu.vector_store %arg9[%swap3A_39, %swap3A_40], %swap3A_43 {strides = array<i32>} : memref<80x128xf32, #tpu.memory_space<vmem>>, vector<1x16xf32>,
      %broadcast_in_dim3A_44 = arith.constant 0.000000e+00 : f32
      %broadcast_in_dim3A_45 = vector.broadcast %broadcast_in_dim3A_44 : f32 to vector<16xf32>
      %swap3A_46 = arith.index_cast %add3A_24 : i32 to index
      %swap3A_47 = arith.constant 48 : index
      %swap3A_48 = tpu.vector_load %arg9[%swap3A_46, %swap3A_47] {strides = array<i32>} : memref<80x128xf32, #tpu.memory_space<vmem>>, vector<1x16xf32>,
      %swap3A_49 = vector.shape_cast %swap3A_48 : vector<1x16xf32> to vector<16xf32>
      %swap3A_50 = vector.shape_cast %broadcast_in_dim3A_45 : vector<16xf32> to vector<1x16xf32>
      tpu.vector_store %arg9[%swap3A_46, %swap3A_47], %swap3A_50 {strides = array<i32>} : memref<80x128xf32, #tpu.memory_space<vmem>>, vector<1x16xf32>,
      %broadcast_in_dim3A_51 = arith.constant 0.000000e+00 : f32
      %broadcast_in_dim3A_52 = vector.broadcast %broadcast_in_dim3A_51 : f32 to vector<16xf32>
      %swap3A_53 = arith.index_cast %add3A_24 : i32 to index
      %swap3A_54 = arith.constant 64 : index
      %swap3A_55 = tpu.vector_load %arg9[%swap3A_53, %swap3A_54] {strides = array<i32>} : memref<80x128xf32, #tpu.memory_space<vmem>>, vector<1x16xf32>,
      %swap3A_56 = vector.shape_cast %swap3A_55 : vector<1x16xf32> to vector<16xf32>
      %swap3A_57 = vector.shape_cast %broadcast_in_dim3A_52 : vector<16xf32> to vector<1x16xf32>
      tpu.vector_store %arg9[%swap3A_53, %swap3A_54], %swap3A_57 {strides = array<i32>} : memref<80x128xf32, #tpu.memory_space<vmem>>, vector<1x16xf32>,
      %broadcast_in_dim3A_58 = arith.constant 0.000000e+00 : f32
      %broadcast_in_dim3A_59 = vector.broadcast %broadcast_in_dim3A_58 : f32 to vector<16xf32>
      %swap3A_60 = arith.index_cast %add3A_24 : i32 to index
      %swap3A_61 = arith.constant 80 : index
      %swap3A_62 = tpu.vector_load %arg9[%swap3A_60, %swap3A_61] {strides = array<i32>} : memref<80x128xf32, #tpu.memory_space<vmem>>, vector<1x16xf32>,
      %swap3A_63 = vector.shape_cast %swap3A_62 : vector<1x16xf32> to vector<16xf32>
      %swap3A_64 = vector.shape_cast %broadcast_in_dim3A_59 : vector<16xf32> to vector<1x16xf32>
      tpu.vector_store %arg9[%swap3A_60, %swap3A_61], %swap3A_64 {strides = array<i32>} : memref<80x128xf32, #tpu.memory_space<vmem>>, vector<1x16xf32>,
      %broadcast_in_dim3A_65 = arith.constant 0.000000e+00 : f32
      %broadcast_in_dim3A_66 = vector.broadcast %broadcast_in_dim3A_65 : f32 to vector<16xf32>
      %swap3A_67 = arith.index_cast %add3A_24 : i32 to index
      %swap3A_68 = arith.constant 96 : index
      %swap3A_69 = tpu.vector_load %arg9[%swap3A_67, %swap3A_68] {strides = array<i32>} : memref<80x128xf32, #tpu.memory_space<vmem>>, vector<1x16xf32>,
      %swap3A_70 = vector.shape_cast %swap3A_69 : vector<1x16xf32> to vector<16xf32>
      %swap3A_71 = vector.shape_cast %broadcast_in_dim3A_66 : vector<16xf32> to vector<1x16xf32>
      tpu.vector_store %arg9[%swap3A_67, %swap3A_68], %swap3A_71 {strides = array<i32>} : memref<80x128xf32, #tpu.memory_space<vmem>>, vector<1x16xf32>,
      %broadcast_in_dim3A_72 = arith.constant 0.000000e+00 : f32
      %broadcast_in_dim3A_73 = vector.broadcast %broadcast_in_dim3A_72 : f32 to vector<16xf32>
      %swap3A_74 = arith.index_cast %add3A_24 : i32 to index
      %swap3A_75 = arith.constant 112 : index
      %swap3A_76 = tpu.vector_load %arg9[%swap3A_74, %swap3A_75] {strides = array<i32>} : memref<80x128xf32, #tpu.memory_space<vmem>>, vector<1x16xf32>,
      %swap3A_77 = vector.shape_cast %swap3A_76 : vector<1x16xf32> to vector<16xf32>
      %swap3A_78 = vector.shape_cast %broadcast_in_dim3A_73 : vector<16xf32> to vector<1x16xf32>
      tpu.vector_store %arg9[%swap3A_74, %swap3A_75], %swap3A_78 {strides = array<i32>} : memref<80x128xf32, #tpu.memory_space<vmem>>, vector<1x16xf32>,
    }
    %scan3A_4 = arith.constant 80 : i32
    %scan3A_5 = arith.constant 0 : i32
    %scan3A_6 = arith.constant 8 : i32
    %scan3A_7 = arith.addi %scan3A_5, %scan3A_6 : i32
    %scan3A_8 = arith.constant 1 : i32
    scf.for %scan3A_20 = %scan3A_5 to %scan3A_7 step %scan3A_8  : i32 {
      %mul3A_21 = arith.constant 1 : i32
      %mul3A_22 = arith.muli %scan3A_20, %mul3A_21 : i32
      %add3A_23 = arith.constant 0 : i32
      %add3A_24 = arith.addi %add3A_23, %mul3A_22 : i32
      %mul3A_25 = arith.constant 640 : i32
      %mul3A_26 = arith.muli %arg1, %mul3A_25 : i32
      %mul3A_27 = arith.constant 80 : i32
      %mul3A_28 = arith.muli %add3A_24, %mul3A_27 : i32
      %add3A_29 = arith.addi %mul3A_26, %mul3A_28 : i32
      "tpu.region"() ({
        %run_scoped3A = tpu.sem_alloc : memref<!tpu.dma_semaphore, #tpu.memory_space<semaphore_mem>>
        %dma_start3A = arith.constant 0 : i32
        %dma_start3A_30 = tpu.memref_slice %arg12[%add3A_29, %dma_start3A] : memref<10240x128xf32, #tpu.memory_space<vmem_shared>> -> memref<80x128xf32, #tpu.memory_space<vmem_shared>>
        %dma_start3A_31 = arith.constant 0 : i32
        %dma_start3A_32 = tpu.memref_slice %arg12[%add3A_29, %dma_start3A_31] : memref<10240x128xf32, #tpu.memory_space<vmem_shared>> -> memref<80x128xf32, #tpu.memory_space<vmem_shared>>
        tpu.enqueue_dma source(%arg9 : memref<80x128xf32, #tpu.memory_space<vmem>>) target(%dma_start3A_32 : memref<80x128xf32, #tpu.memory_space<vmem_shared>>) target_semaphore(%run_scoped3A : memref<!tpu.dma_semaphore, #tpu.memory_space<semaphore_mem>>)
        %dma_wait3A = arith.constant 0 : i32
        %dma_wait3A_33 = tpu.memref_slice %arg12[%add3A_29, %dma_wait3A] : memref<10240x128xf32, #tpu.memory_space<vmem_shared>> -> memref<80x128xf32, #tpu.memory_space<vmem_shared>>
        %dma_wait3A_34 = arith.constant 0 : i32
        %dma_wait3A_35 = tpu.memref_slice %arg12[%add3A_29, %dma_wait3A_34] : memref<10240x128xf32, #tpu.memory_space<vmem_shared>> -> memref<80x128xf32, #tpu.memory_space<vmem_shared>>
        tpu.wait_dma2 semaphore(%run_scoped3A : memref<!tpu.dma_semaphore, #tpu.memory_space<semaphore_mem>>) src(%arg9 : memref<80x128xf32, #tpu.memory_space<vmem>>) dst(%dma_wait3A_35 : memref<80x128xf32, #tpu.memory_space<vmem_shared>>)
        tpu.yield
      }) : () -> ()
    }
    %scan3A_9 = arith.constant 8 : i32
    %barrier3A = arith.constant 0 : index
    tpu.barrier barrier_id(%barrier3A)
    %scan3A_10 = arith.constant 0 : i32
    %scan3A_11 = arith.constant 5 : i32
    %scan3A_12 = arith.addi %scan3A_10, %scan3A_11 : i32
    %scan3A_13 = arith.constant 1 : i32
    scf.for %scan3A_20 = %scan3A_10 to %scan3A_12 step %scan3A_13  : i32 {
      %mul3A_21 = arith.constant 1 : i32
      %mul3A_22 = arith.muli %scan3A_20, %mul3A_21 : i32
      %add3A_23 = arith.constant 0 : i32
      %add3A_24 = arith.addi %add3A_23, %mul3A_22 : i32
      %run_scoped3A = arith.constant 0 : i32
      "tpu.region"() ({
        %run_scoped3A_115 = tpu.sem_alloc : memref<!tpu.dma_semaphore, #tpu.memory_space<semaphore_mem>>
        %dma_start3A_116 = arith.constant 0 : i32
        %dma_start3A_117 = arith.constant 0 : i32
        %dma_start3A_118 = tpu.memref_slice %arg3[%run_scoped3A, %add3A, %add3A_24, %dma_start3A_116, %dma_start3A_117] : memref<2x32x5x25x80xi32, #tpu.memory_space<hbm>> -> memref<1x1x1x25x80xi32, #tpu.memory_space<hbm>>
        %dma_start3A_119 = tpu.memref_squeeze %dma_start3A_118 : memref<1x1x1x25x80xi32, #tpu.memory_space<hbm>> -> memref<25x80xi32, #tpu.memory_space<hbm>>
        %dma_start3A_120 = arith.constant 0 : i32
        %dma_start3A_121 = arith.constant 0 : i32
        %dma_start3A_122 = tpu.memref_slice %arg3[%run_scoped3A, %add3A, %add3A_24, %dma_start3A_120, %dma_start3A_121] : memref<2x32x5x25x80xi32, #tpu.memory_space<hbm>> -> memref<1x1x1x25x80xi32, #tpu.memory_space<hbm>>
        %dma_start3A_123 = tpu.memref_squeeze %dma_start3A_122 : memref<1x1x1x25x80xi32, #tpu.memory_space<hbm>> -> memref<25x80xi32, #tpu.memory_space<hbm>>
        tpu.enqueue_dma source(%dma_start3A_123 : memref<25x80xi32, #tpu.memory_space<hbm>>) target(%arg6 : memref<25x80xi32, #tpu.memory_space<vmem>>) target_semaphore(%run_scoped3A_115 : memref<!tpu.dma_semaphore, #tpu.memory_space<semaphore_mem>>)
        %dma_wait3A_124 = arith.constant 0 : i32
        %dma_wait3A_125 = arith.constant 0 : i32
        %dma_wait3A_126 = tpu.memref_slice %arg3[%run_scoped3A, %add3A, %add3A_24, %dma_wait3A_124, %dma_wait3A_125] : memref<2x32x5x25x80xi32, #tpu.memory_space<hbm>> -> memref<1x1x1x25x80xi32, #tpu.memory_space<hbm>>
        %dma_wait3A_127 = tpu.memref_squeeze %dma_wait3A_126 : memref<1x1x1x25x80xi32, #tpu.memory_space<hbm>> -> memref<25x80xi32, #tpu.memory_space<hbm>>
        %dma_wait3A_128 = arith.constant 0 : i32
        %dma_wait3A_129 = arith.constant 0 : i32
        %dma_wait3A_130 = tpu.memref_slice %arg3[%run_scoped3A, %add3A, %add3A_24, %dma_wait3A_128, %dma_wait3A_129] : memref<2x32x5x25x80xi32, #tpu.memory_space<hbm>> -> memref<1x1x1x25x80xi32, #tpu.memory_space<hbm>>
        %dma_wait3A_131 = tpu.memref_squeeze %dma_wait3A_130 : memref<1x1x1x25x80xi32, #tpu.memory_space<hbm>> -> memref<25x80xi32, #tpu.memory_space<hbm>>
        tpu.wait_dma2 semaphore(%run_scoped3A_115 : memref<!tpu.dma_semaphore, #tpu.memory_space<semaphore_mem>>) src(%dma_wait3A_131 : memref<25x80xi32, #tpu.memory_space<hbm>>) dst(%arg6 : memref<25x80xi32, #tpu.memory_space<vmem>>)
        tpu.yield
      }) : () -> ()
      "tpu.region"() ({
        %run_scoped3A_115 = tpu.sem_alloc : memref<!tpu.dma_semaphore, #tpu.memory_space<semaphore_mem>>
        %dma_start3A_116 = arith.constant 0 : i32
        %dma_start3A_117 = arith.constant 0 : i32
        %dma_start3A_118 = tpu.memref_slice %arg4[%add3A, %add3A_24, %dma_start3A_116, %dma_start3A_117] : memref<32x5x25x80xi32, #tpu.memory_space<hbm>> -> memref<1x1x25x80xi32, #tpu.memory_space<hbm>>
        %dma_start3A_119 = tpu.memref_squeeze %dma_start3A_118 : memref<1x1x25x80xi32, #tpu.memory_space<hbm>> -> memref<25x80xi32, #tpu.memory_space<hbm>>
        %dma_start3A_120 = arith.constant 0 : i32
        %dma_start3A_121 = arith.constant 0 : i32
        %dma_start3A_122 = tpu.memref_slice %arg4[%add3A, %add3A_24, %dma_start3A_120, %dma_start3A_121] : memref<32x5x25x80xi32, #tpu.memory_space<hbm>> -> memref<1x1x25x80xi32, #tpu.memory_space<hbm>>
        %dma_start3A_123 = tpu.memref_squeeze %dma_start3A_122 : memref<1x1x25x80xi32, #tpu.memory_space<hbm>> -> memref<25x80xi32, #tpu.memory_space<hbm>>
        tpu.enqueue_dma source(%dma_start3A_123 : memref<25x80xi32, #tpu.memory_space<hbm>>) target(%arg7 : memref<25x80xi32, #tpu.memory_space<vmem>>) target_semaphore(%run_scoped3A_115 : memref<!tpu.dma_semaphore, #tpu.memory_space<semaphore_mem>>)
        %dma_wait3A_124 = arith.constant 0 : i32
        %dma_wait3A_125 = arith.constant 0 : i32
        %dma_wait3A_126 = tpu.memref_slice %arg4[%add3A, %add3A_24, %dma_wait3A_124, %dma_wait3A_125] : memref<32x5x25x80xi32, #tpu.memory_space<hbm>> -> memref<1x1x25x80xi32, #tpu.memory_space<hbm>>
        %dma_wait3A_127 = tpu.memref_squeeze %dma_wait3A_126 : memref<1x1x25x80xi32, #tpu.memory_space<hbm>> -> memref<25x80xi32, #tpu.memory_space<hbm>>
        %dma_wait3A_128 = arith.constant 0 : i32
        %dma_wait3A_129 = arith.constant 0 : i32
        %dma_wait3A_130 = tpu.memref_slice %arg4[%add3A, %add3A_24, %dma_wait3A_128, %dma_wait3A_129] : memref<32x5x25x80xi32, #tpu.memory_space<hbm>> -> memref<1x1x25x80xi32, #tpu.memory_space<hbm>>
        %dma_wait3A_131 = tpu.memref_squeeze %dma_wait3A_130 : memref<1x1x25x80xi32, #tpu.memory_space<hbm>> -> memref<25x80xi32, #tpu.memory_space<hbm>>
        tpu.wait_dma2 semaphore(%run_scoped3A_115 : memref<!tpu.dma_semaphore, #tpu.memory_space<semaphore_mem>>) src(%dma_wait3A_131 : memref<25x80xi32, #tpu.memory_space<hbm>>) dst(%arg7 : memref<25x80xi32, #tpu.memory_space<vmem>>)
        tpu.yield
      }) : () -> ()
      %run_scoped3A_25 = arith.constant 1 : i32
      "tpu.region"() ({
        %run_scoped3A_115 = tpu.sem_alloc : memref<!tpu.dma_semaphore, #tpu.memory_space<semaphore_mem>>
        %dma_start3A_116 = arith.constant 0 : i32
        %dma_start3A_117 = arith.constant 0 : i32
        %dma_start3A_118 = tpu.memref_slice %arg3[%run_scoped3A_25, %add3A, %add3A_24, %dma_start3A_116, %dma_start3A_117] : memref<2x32x5x25x80xi32, #tpu.memory_space<hbm>> -> memref<1x1x1x25x80xi32, #tpu.memory_space<hbm>>
        %dma_start3A_119 = tpu.memref_squeeze %dma_start3A_118 : memref<1x1x1x25x80xi32, #tpu.memory_space<hbm>> -> memref<25x80xi32, #tpu.memory_space<hbm>>
        %dma_start3A_120 = arith.constant 0 : i32
        %dma_start3A_121 = arith.constant 0 : i32
        %dma_start3A_122 = tpu.memref_slice %arg3[%run_scoped3A_25, %add3A, %add3A_24, %dma_start3A_120, %dma_start3A_121] : memref<2x32x5x25x80xi32, #tpu.memory_space<hbm>> -> memref<1x1x1x25x80xi32, #tpu.memory_space<hbm>>
        %dma_start3A_123 = tpu.memref_squeeze %dma_start3A_122 : memref<1x1x1x25x80xi32, #tpu.memory_space<hbm>> -> memref<25x80xi32, #tpu.memory_space<hbm>>
        tpu.enqueue_dma source(%dma_start3A_123 : memref<25x80xi32, #tpu.memory_space<hbm>>) target(%arg8 : memref<25x80xi32, #tpu.memory_space<vmem>>) target_semaphore(%run_scoped3A_115 : memref<!tpu.dma_semaphore, #tpu.memory_space<semaphore_mem>>)
        %dma_wait3A_124 = arith.constant 0 : i32
        %dma_wait3A_125 = arith.constant 0 : i32
        %dma_wait3A_126 = tpu.memref_slice %arg3[%run_scoped3A_25, %add3A, %add3A_24, %dma_wait3A_124, %dma_wait3A_125] : memref<2x32x5x25x80xi32, #tpu.memory_space<hbm>> -> memref<1x1x1x25x80xi32, #tpu.memory_space<hbm>>
        %dma_wait3A_127 = tpu.memref_squeeze %dma_wait3A_126 : memref<1x1x1x25x80xi32, #tpu.memory_space<hbm>> -> memref<25x80xi32, #tpu.memory_space<hbm>>
        %dma_wait3A_128 = arith.constant 0 : i32
        %dma_wait3A_129 = arith.constant 0 : i32
        %dma_wait3A_130 = tpu.memref_slice %arg3[%run_scoped3A_25, %add3A, %add3A_24, %dma_wait3A_128, %dma_wait3A_129] : memref<2x32x5x25x80xi32, #tpu.memory_space<hbm>> -> memref<1x1x1x25x80xi32, #tpu.memory_space<hbm>>
        %dma_wait3A_131 = tpu.memref_squeeze %dma_wait3A_130 : memref<1x1x1x25x80xi32, #tpu.memory_space<hbm>> -> memref<25x80xi32, #tpu.memory_space<hbm>>
        tpu.wait_dma2 semaphore(%run_scoped3A_115 : memref<!tpu.dma_semaphore, #tpu.memory_space<semaphore_mem>>) src(%dma_wait3A_131 : memref<25x80xi32, #tpu.memory_space<hbm>>) dst(%arg8 : memref<25x80xi32, #tpu.memory_space<vmem>>)
        tpu.yield
      }) : () -> ()
      %scan3A_26 = arith.constant 0 : i32
      %scan3A_27 = arith.constant 25 : i32
      %scan3A_28 = arith.addi %scan3A_26, %scan3A_27 : i32
      %scan3A_29 = arith.constant 1 : i32
      scf.for %scan3A_115 = %scan3A_26 to %scan3A_28 step %scan3A_29  : i32 {
        %mul3A_116 = arith.constant 1 : i32
        %mul3A_117 = arith.muli %scan3A_115, %mul3A_116 : i32
        %add3A_118 = arith.constant 0 : i32
        %add3A_119 = arith.addi %add3A_118, %mul3A_117 : i32
        %get3A = arith.index_cast %add3A_119 : i32 to index
        %get3A_120 = arith.constant 0 : index
        %get3A_121 = tpu.vector_load %arg6[%get3A, %get3A_120] {strides = array<i32>} : memref<25x80xi32, #tpu.memory_space<vmem>>, vector<1x16xi32>,
        %get3A_122 = vector.shape_cast %get3A_121 : vector<1x16xi32> to vector<16xi32>
        %get3A_123 = arith.index_cast %add3A_119 : i32 to index
        %get3A_124 = arith.constant 0 : index
        %get3A_125 = tpu.vector_load %arg7[%get3A_123, %get3A_124] {strides = array<i32>} : memref<25x80xi32, #tpu.memory_space<vmem>>, vector<1x16xi32>,
        %get3A_126 = vector.shape_cast %get3A_125 : vector<1x16xi32> to vector<16xi32>
        %mul3A_127 = arith.constant 10000 : i32
        %mul3A_128 = vector.broadcast %mul3A_127 : i32 to vector<16xi32>
        %mul3A_129 = arith.muli %get3A_126, %mul3A_128 : vector<16xi32>
        %add3A_130 = arith.addi %get3A_122, %mul3A_129 : vector<16xi32>
        %swap3A = arith.index_cast %add3A_119 : i32 to index
        %swap3A_131 = arith.constant 0 : index
        %swap3A_132 = tpu.vector_load %arg6[%swap3A, %swap3A_131] {strides = array<i32>} : memref<25x80xi32, #tpu.memory_space<vmem>>, vector<1x16xi32>,
        %swap3A_133 = vector.shape_cast %swap3A_132 : vector<1x16xi32> to vector<16xi32>
        %swap3A_134 = vector.shape_cast %add3A_130 : vector<16xi32> to vector<1x16xi32>
        tpu.vector_store %arg6[%swap3A, %swap3A_131], %swap3A_134 {strides = array<i32>} : memref<25x80xi32, #tpu.memory_space<vmem>>, vector<1x16xi32>,
        %get3A_135 = arith.index_cast %add3A_119 : i32 to index
        %get3A_136 = arith.constant 16 : index
        %get3A_137 = tpu.vector_load %arg6[%get3A_135, %get3A_136] {strides = array<i32>} : memref<25x80xi32, #tpu.memory_space<vmem>>, vector<1x16xi32>,
        %get3A_138 = vector.shape_cast %get3A_137 : vector<1x16xi32> to vector<16xi32>
        %get3A_139 = arith.index_cast %add3A_119 : i32 to index
        %get3A_140 = arith.constant 16 : index
        %get3A_141 = tpu.vector_load %arg7[%get3A_139, %get3A_140] {strides = array<i32>} : memref<25x80xi32, #tpu.memory_space<vmem>>, vector<1x16xi32>,
        %get3A_142 = vector.shape_cast %get3A_141 : vector<1x16xi32> to vector<16xi32>
        %mul3A_143 = arith.constant 10000 : i32
        %mul3A_144 = vector.broadcast %mul3A_143 : i32 to vector<16xi32>
        %mul3A_145 = arith.muli %get3A_142, %mul3A_144 : vector<16xi32>
        %add3A_146 = arith.addi %get3A_138, %mul3A_145 : vector<16xi32>
        %swap3A_147 = arith.index_cast %add3A_119 : i32 to index
        %swap3A_148 = arith.constant 16 : index
        %swap3A_149 = tpu.vector_load %arg6[%swap3A_147, %swap3A_148] {strides = array<i32>} : memref<25x80xi32, #tpu.memory_space<vmem>>, vector<1x16xi32>,
        %swap3A_150 = vector.shape_cast %swap3A_149 : vector<1x16xi32> to vector<16xi32>
        %swap3A_151 = vector.shape_cast %add3A_146 : vector<16xi32> to vector<1x16xi32>
        tpu.vector_store %arg6[%swap3A_147, %swap3A_148], %swap3A_151 {strides = array<i32>} : memref<25x80xi32, #tpu.memory_space<vmem>>, vector<1x16xi32>,
        %get3A_152 = arith.index_cast %add3A_119 : i32 to index
        %get3A_153 = arith.constant 32 : index
        %get3A_154 = tpu.vector_load %arg6[%get3A_152, %get3A_153] {strides = array<i32>} : memref<25x80xi32, #tpu.memory_space<vmem>>, vector<1x16xi32>,
        %get3A_155 = vector.shape_cast %get3A_154 : vector<1x16xi32> to vector<16xi32>
        %get3A_156 = arith.index_cast %add3A_119 : i32 to index
        %get3A_157 = arith.constant 32 : index
        %get3A_158 = tpu.vector_load %arg7[%get3A_156, %get3A_157] {strides = array<i32>} : memref<25x80xi32, #tpu.memory_space<vmem>>, vector<1x16xi32>,
        %get3A_159 = vector.shape_cast %get3A_158 : vector<1x16xi32> to vector<16xi32>
        %mul3A_160 = arith.constant 10000 : i32
        %mul3A_161 = vector.broadcast %mul3A_160 : i32 to vector<16xi32>
        %mul3A_162 = arith.muli %get3A_159, %mul3A_161 : vector<16xi32>
        %add3A_163 = arith.addi %get3A_155, %mul3A_162 : vector<16xi32>
        %swap3A_164 = arith.index_cast %add3A_119 : i32 to index
        %swap3A_165 = arith.constant 32 : index
        %swap3A_166 = tpu.vector_load %arg6[%swap3A_164, %swap3A_165] {strides = array<i32>} : memref<25x80xi32, #tpu.memory_space<vmem>>, vector<1x16xi32>,
        %swap3A_167 = vector.shape_cast %swap3A_166 : vector<1x16xi32> to vector<16xi32>
        %swap3A_168 = vector.shape_cast %add3A_163 : vector<16xi32> to vector<1x16xi32>
        tpu.vector_store %arg6[%swap3A_164, %swap3A_165], %swap3A_168 {strides = array<i32>} : memref<25x80xi32, #tpu.memory_space<vmem>>, vector<1x16xi32>,
        %get3A_169 = arith.index_cast %add3A_119 : i32 to index
        %get3A_170 = arith.constant 48 : index
        %get3A_171 = tpu.vector_load %arg6[%get3A_169, %get3A_170] {strides = array<i32>} : memref<25x80xi32, #tpu.memory_space<vmem>>, vector<1x16xi32>,
        %get3A_172 = vector.shape_cast %get3A_171 : vector<1x16xi32> to vector<16xi32>
        %get3A_173 = arith.index_cast %add3A_119 : i32 to index
        %get3A_174 = arith.constant 48 : index
        %get3A_175 = tpu.vector_load %arg7[%get3A_173, %get3A_174] {strides = array<i32>} : memref<25x80xi32, #tpu.memory_space<vmem>>, vector<1x16xi32>,
        %get3A_176 = vector.shape_cast %get3A_175 : vector<1x16xi32> to vector<16xi32>
        %mul3A_177 = arith.constant 10000 : i32
        %mul3A_178 = vector.broadcast %mul3A_177 : i32 to vector<16xi32>
        %mul3A_179 = arith.muli %get3A_176, %mul3A_178 : vector<16xi32>
        %add3A_180 = arith.addi %get3A_172, %mul3A_179 : vector<16xi32>
        %swap3A_181 = arith.index_cast %add3A_119 : i32 to index
        %swap3A_182 = arith.constant 48 : index
        %swap3A_183 = tpu.vector_load %arg6[%swap3A_181, %swap3A_182] {strides = array<i32>} : memref<25x80xi32, #tpu.memory_space<vmem>>, vector<1x16xi32>,
        %swap3A_184 = vector.shape_cast %swap3A_183 : vector<1x16xi32> to vector<16xi32>
        %swap3A_185 = vector.shape_cast %add3A_180 : vector<16xi32> to vector<1x16xi32>
        tpu.vector_store %arg6[%swap3A_181, %swap3A_182], %swap3A_185 {strides = array<i32>} : memref<25x80xi32, #tpu.memory_space<vmem>>, vector<1x16xi32>,
        %get3A_186 = arith.index_cast %add3A_119 : i32 to index
        %get3A_187 = arith.constant 64 : index
        %get3A_188 = tpu.vector_load %arg6[%get3A_186, %get3A_187] {strides = array<i32>} : memref<25x80xi32, #tpu.memory_space<vmem>>, vector<1x16xi32>,
        %get3A_189 = vector.shape_cast %get3A_188 : vector<1x16xi32> to vector<16xi32>
        %get3A_190 = arith.index_cast %add3A_119 : i32 to index
        %get3A_191 = arith.constant 64 : index
        %get3A_192 = tpu.vector_load %arg7[%get3A_190, %get3A_191] {strides = array<i32>} : memref<25x80xi32, #tpu.memory_space<vmem>>, vector<1x16xi32>,
        %get3A_193 = vector.shape_cast %get3A_192 : vector<1x16xi32> to vector<16xi32>
        %mul3A_194 = arith.constant 10000 : i32
        %mul3A_195 = vector.broadcast %mul3A_194 : i32 to vector<16xi32>
        %mul3A_196 = arith.muli %get3A_193, %mul3A_195 : vector<16xi32>
        %add3A_197 = arith.addi %get3A_189, %mul3A_196 : vector<16xi32>
        %swap3A_198 = arith.index_cast %add3A_119 : i32 to index
        %swap3A_199 = arith.constant 64 : index
        %swap3A_200 = tpu.vector_load %arg6[%swap3A_198, %swap3A_199] {strides = array<i32>} : memref<25x80xi32, #tpu.memory_space<vmem>>, vector<1x16xi32>,
        %swap3A_201 = vector.shape_cast %swap3A_200 : vector<1x16xi32> to vector<16xi32>
        %swap3A_202 = vector.shape_cast %add3A_197 : vector<16xi32> to vector<1x16xi32>
        tpu.vector_store %arg6[%swap3A_198, %swap3A_199], %swap3A_202 {strides = array<i32>} : memref<25x80xi32, #tpu.memory_space<vmem>>, vector<1x16xi32>,
      }
      %scan3A_30 = arith.constant 25 : i32
      %dma_start3A = arith.constant 0 : i32
      %dma_start3A_31 = arith.constant 0 : i32
      %dma_start3A_32 = arith.constant 0 : i32
      %dma_start3A_33 = tpu.memref_slice %arg9[%dma_start3A_31, %dma_start3A_32] : memref<80x128xf32, #tpu.memory_space<vmem>> -> memref<40x128xf32, #tpu.memory_space<vmem>>
      %dma_start3A_34 = arith.constant 0 : i32
      %dma_start3A_35 = tpu.memref_slice %arg6[%dma_start3A, %dma_start3A_34] : memref<25x80xi32, #tpu.memory_space<vmem>> -> memref<1x40xi32, #tpu.memory_space<vmem>>
      %dma_start3A_36 = tpu.memref_squeeze %dma_start3A_35 : memref<1x40xi32, #tpu.memory_space<vmem>> -> memref<40xi32, #tpu.memory_space<vmem>>
      %dma_start3A_37 = arith.constant 0 : i32
      %dma_start3A_38 = arith.constant 0 : i32
      %dma_start3A_39 = tpu.memref_slice %arg2[%dma_start3A_37, %dma_start3A_38] : memref<160000x128xf32, #tpu.memory_space<hbm>> -> memref<160000x128xf32, #tpu.memory_space<hbm>>
      tpu.enqueue_indirect_dma source(%dma_start3A_39 : memref<160000x128xf32, #tpu.memory_space<hbm>>) target(%dma_start3A_33 : memref<40x128xf32, #tpu.memory_space<vmem>>) offsets(%dma_start3A_36 : memref<40xi32, #tpu.memory_space<vmem>>) semaphore(%arg13 : memref<!tpu.dma_semaphore, #tpu.memory_space<semaphore_mem>>)
      %dma_start3A_40 = arith.constant 0 : i32
      %dma_start3A_41 = arith.constant 40 : i32
      %dma_start3A_42 = arith.constant 0 : i32
      %dma_start3A_43 = tpu.memref_slice %arg9[%dma_start3A_41, %dma_start3A_42] : memref<80x128xf32, #tpu.memory_space<vmem>> -> memref<40x128xf32, #tpu.memory_space<vmem>>
      %dma_start3A_44 = arith.constant 40 : i32
      %dma_start3A_45 = tpu.memref_slice %arg6[%dma_start3A_40, %dma_start3A_44] : memref<25x80xi32, #tpu.memory_space<vmem>> -> memref<1x40xi32, #tpu.memory_space<vmem>>
      %dma_start3A_46 = tpu.memref_squeeze %dma_start3A_45 : memref<1x40xi32, #tpu.memory_space<vmem>> -> memref<40xi32, #tpu.memory_space<vmem>>
      %dma_start3A_47 = arith.constant 0 : i32
      %dma_start3A_48 = arith.constant 0 : i32
      %dma_start3A_49 = tpu.memref_slice %arg2[%dma_start3A_47, %dma_start3A_48] : memref<160000x128xf32, #tpu.memory_space<hbm>> -> memref<160000x128xf32, #tpu.memory_space<hbm>>
      tpu.enqueue_indirect_dma source(%dma_start3A_49 : memref<160000x128xf32, #tpu.memory_space<hbm>>) target(%dma_start3A_43 : memref<40x128xf32, #tpu.memory_space<vmem>>) offsets(%dma_start3A_46 : memref<40xi32, #tpu.memory_space<vmem>>) semaphore(%arg14 : memref<!tpu.dma_semaphore, #tpu.memory_space<semaphore_mem>>)
      %dma_start3A_50 = arith.constant 1 : i32
      %dma_start3A_51 = arith.constant 0 : i32
      %dma_start3A_52 = arith.constant 0 : i32
      %dma_start3A_53 = tpu.memref_slice %arg10[%dma_start3A_51, %dma_start3A_52] : memref<80x128xf32, #tpu.memory_space<vmem>> -> memref<40x128xf32, #tpu.memory_space<vmem>>
      %dma_start3A_54 = arith.constant 0 : i32
      %dma_start3A_55 = tpu.memref_slice %arg6[%dma_start3A_50, %dma_start3A_54] : memref<25x80xi32, #tpu.memory_space<vmem>> -> memref<1x40xi32, #tpu.memory_space<vmem>>
      %dma_start3A_56 = tpu.memref_squeeze %dma_start3A_55 : memref<1x40xi32, #tpu.memory_space<vmem>> -> memref<40xi32, #tpu.memory_space<vmem>>
      %dma_start3A_57 = arith.constant 0 : i32
      %dma_start3A_58 = arith.constant 0 : i32
      %dma_start3A_59 = tpu.memref_slice %arg2[%dma_start3A_57, %dma_start3A_58] : memref<160000x128xf32, #tpu.memory_space<hbm>> -> memref<160000x128xf32, #tpu.memory_space<hbm>>
      tpu.enqueue_indirect_dma source(%dma_start3A_59 : memref<160000x128xf32, #tpu.memory_space<hbm>>) target(%dma_start3A_53 : memref<40x128xf32, #tpu.memory_space<vmem>>) offsets(%dma_start3A_56 : memref<40xi32, #tpu.memory_space<vmem>>) semaphore(%arg15 : memref<!tpu.dma_semaphore, #tpu.memory_space<semaphore_mem>>)
      %dma_start3A_60 = arith.constant 1 : i32
      %dma_start3A_61 = arith.constant 40 : i32
      %dma_start3A_62 = arith.constant 0 : i32
      %dma_start3A_63 = tpu.memref_slice %arg10[%dma_start3A_61, %dma_start3A_62] : memref<80x128xf32, #tpu.memory_space<vmem>> -> memref<40x128xf32, #tpu.memory_space<vmem>>
      %dma_start3A_64 = arith.constant 40 : i32
      %dma_start3A_65 = tpu.memref_slice %arg6[%dma_start3A_60, %dma_start3A_64] : memref<25x80xi32, #tpu.memory_space<vmem>> -> memref<1x40xi32, #tpu.memory_space<vmem>>
      %dma_start3A_66 = tpu.memref_squeeze %dma_start3A_65 : memref<1x40xi32, #tpu.memory_space<vmem>> -> memref<40xi32, #tpu.memory_space<vmem>>
      %dma_start3A_67 = arith.constant 0 : i32
      %dma_start3A_68 = arith.constant 0 : i32
      %dma_start3A_69 = tpu.memref_slice %arg2[%dma_start3A_67, %dma_start3A_68] : memref<160000x128xf32, #tpu.memory_space<hbm>> -> memref<160000x128xf32, #tpu.memory_space<hbm>>
      tpu.enqueue_indirect_dma source(%dma_start3A_69 : memref<160000x128xf32, #tpu.memory_space<hbm>>) target(%dma_start3A_63 : memref<40x128xf32, #tpu.memory_space<vmem>>) offsets(%dma_start3A_66 : memref<40xi32, #tpu.memory_space<vmem>>) semaphore(%arg16 : memref<!tpu.dma_semaphore, #tpu.memory_space<semaphore_mem>>)
      %dma_start3A_70 = arith.constant 2 : i32
      %dma_start3A_71 = arith.constant 0 : i32
      %dma_start3A_72 = arith.constant 0 : i32
      %dma_start3A_73 = tpu.memref_slice %arg11[%dma_start3A_71, %dma_start3A_72] : memref<80x128xf32, #tpu.memory_space<vmem>> -> memref<40x128xf32, #tpu.memory_space<vmem>>
      %dma_start3A_74 = arith.constant 0 : i32
      %dma_start3A_75 = tpu.memref_slice %arg6[%dma_start3A_70, %dma_start3A_74] : memref<25x80xi32, #tpu.memory_space<vmem>> -> memref<1x40xi32, #tpu.memory_space<vmem>>
      %dma_start3A_76 = tpu.memref_squeeze %dma_start3A_75 : memref<1x40xi32, #tpu.memory_space<vmem>> -> memref<40xi32, #tpu.memory_space<vmem>>
      %dma_start3A_77 = arith.constant 0 : i32
      %dma_start3A_78 = arith.constant 0 : i32
      %dma_start3A_79 = tpu.memref_slice %arg2[%dma_start3A_77, %dma_start3A_78] : memref<160000x128xf32, #tpu.memory_space<hbm>> -> memref<160000x128xf32, #tpu.memory_space<hbm>>
      tpu.enqueue_indirect_dma source(%dma_start3A_79 : memref<160000x128xf32, #tpu.memory_space<hbm>>) target(%dma_start3A_73 : memref<40x128xf32, #tpu.memory_space<vmem>>) offsets(%dma_start3A_76 : memref<40xi32, #tpu.memory_space<vmem>>) semaphore(%arg17 : memref<!tpu.dma_semaphore, #tpu.memory_space<semaphore_mem>>)
      %dma_start3A_80 = arith.constant 2 : i32
      %dma_start3A_81 = arith.constant 40 : i32
      %dma_start3A_82 = arith.constant 0 : i32
      %dma_start3A_83 = tpu.memref_slice %arg11[%dma_start3A_81, %dma_start3A_82] : memref<80x128xf32, #tpu.memory_space<vmem>> -> memref<40x128xf32, #tpu.memory_space<vmem>>
      %dma_start3A_84 = arith.constant 40 : i32
      %dma_start3A_85 = tpu.memref_slice %arg6[%dma_start3A_80, %dma_start3A_84] : memref<25x80xi32, #tpu.memory_space<vmem>> -> memref<1x40xi32, #tpu.memory_space<vmem>>
      %dma_start3A_86 = tpu.memref_squeeze %dma_start3A_85 : memref<1x40xi32, #tpu.memory_space<vmem>> -> memref<40xi32, #tpu.memory_space<vmem>>
      %dma_start3A_87 = arith.constant 0 : i32
      %dma_start3A_88 = arith.constant 0 : i32
      %dma_start3A_89 = tpu.memref_slice %arg2[%dma_start3A_87, %dma_start3A_88] : memref<160000x128xf32, #tpu.memory_space<hbm>> -> memref<160000x128xf32, #tpu.memory_space<hbm>>
      tpu.enqueue_indirect_dma source(%dma_start3A_89 : memref<160000x128xf32, #tpu.memory_space<hbm>>) target(%dma_start3A_83 : memref<40x128xf32, #tpu.memory_space<vmem>>) offsets(%dma_start3A_86 : memref<40xi32, #tpu.memory_space<vmem>>) semaphore(%arg18 : memref<!tpu.dma_semaphore, #tpu.memory_space<semaphore_mem>>)
      %scan3A_90 = arith.constant 0 : i32
      %scan3A_91 = arith.constant 8 : i32
      %scan3A_92 = arith.addi %scan3A_90, %scan3A_91 : i32
      %scan3A_93 = arith.constant 1 : i32
      scf.for %scan3A_115 = %scan3A_90 to %scan3A_92 step %scan3A_93  : i32 {
        %mul3A_116 = arith.constant 1 : i32
        %mul3A_117 = arith.muli %scan3A_115, %mul3A_116 : i32
        %add3A_118 = arith.constant 0 : i32
        %add3A_119 = arith.addi %add3A_118, %mul3A_117 : i32
        %mul3A_120 = arith.constant 3 : i32
        %mul3A_121 = arith.muli %mul3A_120, %add3A_119 : i32
        %add3A_122 = arith.constant 0 : i32
        %add3A_123 = arith.addi %mul3A_121, %add3A_122 : i32
        %dma_wait3A_124 = arith.constant 0 : i32
        %dma_wait3A_125 = arith.constant 0 : i32
        %dma_wait3A_126 = tpu.memref_slice %arg9[%dma_wait3A_124, %dma_wait3A_125] : memref<80x128xf32, #tpu.memory_space<vmem>> -> memref<40x128xf32, #tpu.memory_space<vmem>>
        %dma_wait3A_127 = arith.constant 0 : i32
        %dma_wait3A_128 = tpu.memref_slice %arg6[%add3A_123, %dma_wait3A_127] : memref<25x80xi32, #tpu.memory_space<vmem>> -> memref<1x40xi32, #tpu.memory_space<vmem>>
        %dma_wait3A_129 = tpu.memref_squeeze %dma_wait3A_128 : memref<1x40xi32, #tpu.memory_space<vmem>> -> memref<40xi32, #tpu.memory_space<vmem>>
        %dma_wait3A_130 = arith.constant 0 : i32
        %dma_wait3A_131 = arith.constant 0 : i32
        %dma_wait3A_132 = tpu.memref_slice %arg2[%dma_wait3A_130, %dma_wait3A_131] : memref<160000x128xf32, #tpu.memory_space<hbm>> -> memref<160000x128xf32, #tpu.memory_space<hbm>>
        tpu.wait_indirect_dma semaphore(%arg13 : memref<!tpu.dma_semaphore, #tpu.memory_space<semaphore_mem>>) src(%dma_wait3A_132 : memref<160000x128xf32, #tpu.memory_space<hbm>>) dst(%dma_wait3A_126 : memref<40x128xf32, #tpu.memory_space<vmem>>)
        %dma_wait3A_133 = arith.constant 40 : i32
        %dma_wait3A_134 = arith.constant 0 : i32
        %dma_wait3A_135 = tpu.memref_slice %arg9[%dma_wait3A_133, %dma_wait3A_134] : memref<80x128xf32, #tpu.memory_space<vmem>> -> memref<40x128xf32, #tpu.memory_space<vmem>>
        %dma_wait3A_136 = arith.constant 40 : i32
        %dma_wait3A_137 = tpu.memref_slice %arg6[%add3A_123, %dma_wait3A_136] : memref<25x80xi32, #tpu.memory_space<vmem>> -> memref<1x40xi32, #tpu.memory_space<vmem>>
        %dma_wait3A_138 = tpu.memref_squeeze %dma_wait3A_137 : memref<1x40xi32, #tpu.memory_space<vmem>> -> memref<40xi32, #tpu.memory_space<vmem>>
        %dma_wait3A_139 = arith.constant 0 : i32
        %dma_wait3A_140 = arith.constant 0 : i32
        %dma_wait3A_141 = tpu.memref_slice %arg2[%dma_wait3A_139, %dma_wait3A_140] : memref<160000x128xf32, #tpu.memory_space<hbm>> -> memref<160000x128xf32, #tpu.memory_space<hbm>>
        tpu.wait_indirect_dma semaphore(%arg14 : memref<!tpu.dma_semaphore, #tpu.memory_space<semaphore_mem>>) src(%dma_wait3A_141 : memref<160000x128xf32, #tpu.memory_space<hbm>>) dst(%dma_wait3A_135 : memref<40x128xf32, #tpu.memory_space<vmem>>)
        "tpu.region"() ({
          %run_scoped3A_204 = tpu.sem_alloc : memref<!tpu.dma_semaphore, #tpu.memory_space<semaphore_mem>>
          %dma_start3A_205 = arith.constant 0 : i32
          %dma_start3A_206 = tpu.memref_slice %arg8[%add3A_123, %dma_start3A_205] : memref<25x80xi32, #tpu.memory_space<vmem>> -> memref<1x80xi32, #tpu.memory_space<vmem>>
          %dma_start3A_207 = tpu.memref_squeeze %dma_start3A_206 : memref<1x80xi32, #tpu.memory_space<vmem>> -> memref<80xi32, #tpu.memory_space<vmem>>
          %dma_start3A_208 = arith.constant 0 : i32
          %dma_start3A_209 = arith.constant 0 : i32
          %dma_start3A_210 = tpu.memref_slice %arg12[%dma_start3A_208, %dma_start3A_209] : memref<10240x128xf32, #tpu.memory_space<vmem_shared>> -> memref<10240x128xf32, #tpu.memory_space<vmem_shared>>
          tpu.enqueue_indirect_dma source(%arg9 : memref<80x128xf32, #tpu.memory_space<vmem>>) target(%dma_start3A_210 : memref<10240x128xf32, #tpu.memory_space<vmem_shared>>) offsets(%dma_start3A_207 : memref<80xi32, #tpu.memory_space<vmem>>) semaphore(%run_scoped3A_204 : memref<!tpu.dma_semaphore, #tpu.memory_space<semaphore_mem>>) {add = true}
          %dma_wait3A_211 = arith.constant 0 : i32
          %dma_wait3A_212 = tpu.memref_slice %arg8[%add3A_123, %dma_wait3A_211] : memref<25x80xi32, #tpu.memory_space<vmem>> -> memref<1x80xi32, #tpu.memory_space<vmem>>
          %dma_wait3A_213 = tpu.memref_squeeze %dma_wait3A_212 : memref<1x80xi32, #tpu.memory_space<vmem>> -> memref<80xi32, #tpu.memory_space<vmem>>
          %dma_wait3A_214 = arith.constant 0 : i32
          %dma_wait3A_215 = arith.constant 0 : i32
          %dma_wait3A_216 = tpu.memref_slice %arg12[%dma_wait3A_214, %dma_wait3A_215] : memref<10240x128xf32, #tpu.memory_space<vmem_shared>> -> memref<10240x128xf32, #tpu.memory_space<vmem_shared>>
          tpu.wait_indirect_dma semaphore(%run_scoped3A_204 : memref<!tpu.dma_semaphore, #tpu.memory_space<semaphore_mem>>) src(%arg9 : memref<80x128xf32, #tpu.memory_space<vmem>>) dst(%dma_wait3A_216 : memref<10240x128xf32, #tpu.memory_space<vmem_shared>>)
          tpu.yield
        }) : () -> ()
        %add3A_142 = arith.constant 3 : i32
        %add3A_143 = arith.addi %add3A_123, %add3A_142 : i32
        %lt3A = arith.constant 25 : i32
        %lt3A_144 = arith.cmpi slt, %add3A_143, %lt3A : i32
        %convert_element_type3A = arith.extui %lt3A_144 : i1 to i32
        %cond3A = arith.constant 0 : i32
        %cond3A_145 = arith.cmpi ne, %convert_element_type3A, %cond3A : i32
        scf.if %cond3A_145 {
          %add3A_204 = arith.constant 3 : i32
          %add3A_205 = arith.addi %add3A_123, %add3A_204 : i32
          %dma_start3A_206 = arith.constant 0 : i32
          %dma_start3A_207 = arith.constant 0 : i32
          %dma_start3A_208 = tpu.memref_slice %arg9[%dma_start3A_206, %dma_start3A_207] : memref<80x128xf32, #tpu.memory_space<vmem>> -> memref<40x128xf32, #tpu.memory_space<vmem>>
          %dma_start3A_209 = arith.constant 0 : i32
          %dma_start3A_210 = tpu.memref_slice %arg6[%add3A_205, %dma_start3A_209] : memref<25x80xi32, #tpu.memory_space<vmem>> -> memref<1x40xi32, #tpu.memory_space<vmem>>
          %dma_start3A_211 = tpu.memref_squeeze %dma_start3A_210 : memref<1x40xi32, #tpu.memory_space<vmem>> -> memref<40xi32, #tpu.memory_space<vmem>>
          %dma_start3A_212 = arith.constant 0 : i32
          %dma_start3A_213 = arith.constant 0 : i32
          %dma_start3A_214 = tpu.memref_slice %arg2[%dma_start3A_212, %dma_start3A_213] : memref<160000x128xf32, #tpu.memory_space<hbm>> -> memref<160000x128xf32, #tpu.memory_space<hbm>>
          tpu.enqueue_indirect_dma source(%dma_start3A_214 : memref<160000x128xf32, #tpu.memory_space<hbm>>) target(%dma_start3A_208 : memref<40x128xf32, #tpu.memory_space<vmem>>) offsets(%dma_start3A_211 : memref<40xi32, #tpu.memory_space<vmem>>) semaphore(%arg13 : memref<!tpu.dma_semaphore, #tpu.memory_space<semaphore_mem>>)
          %dma_start3A_215 = arith.constant 40 : i32
          %dma_start3A_216 = arith.constant 0 : i32
          %dma_start3A_217 = tpu.memref_slice %arg9[%dma_start3A_215, %dma_start3A_216] : memref<80x128xf32, #tpu.memory_space<vmem>> -> memref<40x128xf32, #tpu.memory_space<vmem>>
          %dma_start3A_218 = arith.constant 40 : i32
          %dma_start3A_219 = tpu.memref_slice %arg6[%add3A_205, %dma_start3A_218] : memref<25x80xi32, #tpu.memory_space<vmem>> -> memref<1x40xi32, #tpu.memory_space<vmem>>
          %dma_start3A_220 = tpu.memref_squeeze %dma_start3A_219 : memref<1x40xi32, #tpu.memory_space<vmem>> -> memref<40xi32, #tpu.memory_space<vmem>>
          %dma_start3A_221 = arith.constant 0 : i32
          %dma_start3A_222 = arith.constant 0 : i32
          %dma_start3A_223 = tpu.memref_slice %arg2[%dma_start3A_221, %dma_start3A_222] : memref<160000x128xf32, #tpu.memory_space<hbm>> -> memref<160000x128xf32, #tpu.memory_space<hbm>>
          tpu.enqueue_indirect_dma source(%dma_start3A_223 : memref<160000x128xf32, #tpu.memory_space<hbm>>) target(%dma_start3A_217 : memref<40x128xf32, #tpu.memory_space<vmem>>) offsets(%dma_start3A_220 : memref<40xi32, #tpu.memory_space<vmem>>) semaphore(%arg14 : memref<!tpu.dma_semaphore, #tpu.memory_space<semaphore_mem>>)
        } else {
        }
        %mul3A_146 = arith.constant 3 : i32
        %mul3A_147 = arith.muli %mul3A_146, %add3A_119 : i32
        %add3A_148 = arith.constant 1 : i32
        %add3A_149 = arith.addi %mul3A_147, %add3A_148 : i32
        %dma_wait3A_150 = arith.constant 0 : i32
        %dma_wait3A_151 = arith.constant 0 : i32
        %dma_wait3A_152 = tpu.memref_slice %arg10[%dma_wait3A_150, %dma_wait3A_151] : memref<80x128xf32, #tpu.memory_space<vmem>> -> memref<40x128xf32, #tpu.memory_space<vmem>>
        %dma_wait3A_153 = arith.constant 0 : i32
        %dma_wait3A_154 = tpu.memref_slice %arg6[%add3A_149, %dma_wait3A_153] : memref<25x80xi32, #tpu.memory_space<vmem>> -> memref<1x40xi32, #tpu.memory_space<vmem>>
        %dma_wait3A_155 = tpu.memref_squeeze %dma_wait3A_154 : memref<1x40xi32, #tpu.memory_space<vmem>> -> memref<40xi32, #tpu.memory_space<vmem>>
        %dma_wait3A_156 = arith.constant 0 : i32
        %dma_wait3A_157 = arith.constant 0 : i32
        %dma_wait3A_158 = tpu.memref_slice %arg2[%dma_wait3A_156, %dma_wait3A_157] : memref<160000x128xf32, #tpu.memory_space<hbm>> -> memref<160000x128xf32, #tpu.memory_space<hbm>>
        tpu.wait_indirect_dma semaphore(%arg15 : memref<!tpu.dma_semaphore, #tpu.memory_space<semaphore_mem>>) src(%dma_wait3A_158 : memref<160000x128xf32, #tpu.memory_space<hbm>>) dst(%dma_wait3A_152 : memref<40x128xf32, #tpu.memory_space<vmem>>)
        %dma_wait3A_159 = arith.constant 40 : i32
        %dma_wait3A_160 = arith.constant 0 : i32
        %dma_wait3A_161 = tpu.memref_slice %arg10[%dma_wait3A_159, %dma_wait3A_160] : memref<80x128xf32, #tpu.memory_space<vmem>> -> memref<40x128xf32, #tpu.memory_space<vmem>>
        %dma_wait3A_162 = arith.constant 40 : i32
        %dma_wait3A_163 = tpu.memref_slice %arg6[%add3A_149, %dma_wait3A_162] : memref<25x80xi32, #tpu.memory_space<vmem>> -> memref<1x40xi32, #tpu.memory_space<vmem>>
        %dma_wait3A_164 = tpu.memref_squeeze %dma_wait3A_163 : memref<1x40xi32, #tpu.memory_space<vmem>> -> memref<40xi32, #tpu.memory_space<vmem>>
        %dma_wait3A_165 = arith.constant 0 : i32
        %dma_wait3A_166 = arith.constant 0 : i32
        %dma_wait3A_167 = tpu.memref_slice %arg2[%dma_wait3A_165, %dma_wait3A_166] : memref<160000x128xf32, #tpu.memory_space<hbm>> -> memref<160000x128xf32, #tpu.memory_space<hbm>>
        tpu.wait_indirect_dma semaphore(%arg16 : memref<!tpu.dma_semaphore, #tpu.memory_space<semaphore_mem>>) src(%dma_wait3A_167 : memref<160000x128xf32, #tpu.memory_space<hbm>>) dst(%dma_wait3A_161 : memref<40x128xf32, #tpu.memory_space<vmem>>)
        "tpu.region"() ({
          %run_scoped3A_204 = tpu.sem_alloc : memref<!tpu.dma_semaphore, #tpu.memory_space<semaphore_mem>>
          %dma_start3A_205 = arith.constant 0 : i32
          %dma_start3A_206 = tpu.memref_slice %arg8[%add3A_149, %dma_start3A_205] : memref<25x80xi32, #tpu.memory_space<vmem>> -> memref<1x80xi32, #tpu.memory_space<vmem>>
          %dma_start3A_207 = tpu.memref_squeeze %dma_start3A_206 : memref<1x80xi32, #tpu.memory_space<vmem>> -> memref<80xi32, #tpu.memory_space<vmem>>
          %dma_start3A_208 = arith.constant 0 : i32
          %dma_start3A_209 = arith.constant 0 : i32
          %dma_start3A_210 = tpu.memref_slice %arg12[%dma_start3A_208, %dma_start3A_209] : memref<10240x128xf32, #tpu.memory_space<vmem_shared>> -> memref<10240x128xf32, #tpu.memory_space<vmem_shared>>
          tpu.enqueue_indirect_dma source(%arg10 : memref<80x128xf32, #tpu.memory_space<vmem>>) target(%dma_start3A_210 : memref<10240x128xf32, #tpu.memory_space<vmem_shared>>) offsets(%dma_start3A_207 : memref<80xi32, #tpu.memory_space<vmem>>) semaphore(%run_scoped3A_204 : memref<!tpu.dma_semaphore, #tpu.memory_space<semaphore_mem>>) {add = true}
          %dma_wait3A_211 = arith.constant 0 : i32
          %dma_wait3A_212 = tpu.memref_slice %arg8[%add3A_149, %dma_wait3A_211] : memref<25x80xi32, #tpu.memory_space<vmem>> -> memref<1x80xi32, #tpu.memory_space<vmem>>
          %dma_wait3A_213 = tpu.memref_squeeze %dma_wait3A_212 : memref<1x80xi32, #tpu.memory_space<vmem>> -> memref<80xi32, #tpu.memory_space<vmem>>
          %dma_wait3A_214 = arith.constant 0 : i32
          %dma_wait3A_215 = arith.constant 0 : i32
          %dma_wait3A_216 = tpu.memref_slice %arg12[%dma_wait3A_214, %dma_wait3A_215] : memref<10240x128xf32, #tpu.memory_space<vmem_shared>> -> memref<10240x128xf32, #tpu.memory_space<vmem_shared>>
          tpu.wait_indirect_dma semaphore(%run_scoped3A_204 : memref<!tpu.dma_semaphore, #tpu.memory_space<semaphore_mem>>) src(%arg10 : memref<80x128xf32, #tpu.memory_space<vmem>>) dst(%dma_wait3A_216 : memref<10240x128xf32, #tpu.memory_space<vmem_shared>>)
          tpu.yield
        }) : () -> ()
        %add3A_168 = arith.constant 3 : i32
        %add3A_169 = arith.addi %add3A_149, %add3A_168 : i32
        %lt3A_170 = arith.constant 25 : i32
        %lt3A_171 = arith.cmpi slt, %add3A_169, %lt3A_170 : i32
        %convert_element_type3A_172 = arith.extui %lt3A_171 : i1 to i32
        %cond3A_173 = arith.constant 0 : i32
        %cond3A_174 = arith.cmpi ne, %convert_element_type3A_172, %cond3A_173 : i32
        scf.if %cond3A_174 {
          %add3A_204 = arith.constant 3 : i32
          %add3A_205 = arith.addi %add3A_149, %add3A_204 : i32
          %dma_start3A_206 = arith.constant 0 : i32
          %dma_start3A_207 = arith.constant 0 : i32
          %dma_start3A_208 = tpu.memref_slice %arg10[%dma_start3A_206, %dma_start3A_207] : memref<80x128xf32, #tpu.memory_space<vmem>> -> memref<40x128xf32, #tpu.memory_space<vmem>>
          %dma_start3A_209 = arith.constant 0 : i32
          %dma_start3A_210 = tpu.memref_slice %arg6[%add3A_205, %dma_start3A_209] : memref<25x80xi32, #tpu.memory_space<vmem>> -> memref<1x40xi32, #tpu.memory_space<vmem>>
          %dma_start3A_211 = tpu.memref_squeeze %dma_start3A_210 : memref<1x40xi32, #tpu.memory_space<vmem>> -> memref<40xi32, #tpu.memory_space<vmem>>
          %dma_start3A_212 = arith.constant 0 : i32
          %dma_start3A_213 = arith.constant 0 : i32
          %dma_start3A_214 = tpu.memref_slice %arg2[%dma_start3A_212, %dma_start3A_213] : memref<160000x128xf32, #tpu.memory_space<hbm>> -> memref<160000x128xf32, #tpu.memory_space<hbm>>
          tpu.enqueue_indirect_dma source(%dma_start3A_214 : memref<160000x128xf32, #tpu.memory_space<hbm>>) target(%dma_start3A_208 : memref<40x128xf32, #tpu.memory_space<vmem>>) offsets(%dma_start3A_211 : memref<40xi32, #tpu.memory_space<vmem>>) semaphore(%arg15 : memref<!tpu.dma_semaphore, #tpu.memory_space<semaphore_mem>>)
          %dma_start3A_215 = arith.constant 40 : i32
          %dma_start3A_216 = arith.constant 0 : i32
          %dma_start3A_217 = tpu.memref_slice %arg10[%dma_start3A_215, %dma_start3A_216] : memref<80x128xf32, #tpu.memory_space<vmem>> -> memref<40x128xf32, #tpu.memory_space<vmem>>
          %dma_start3A_218 = arith.constant 40 : i32
          %dma_start3A_219 = tpu.memref_slice %arg6[%add3A_205, %dma_start3A_218] : memref<25x80xi32, #tpu.memory_space<vmem>> -> memref<1x40xi32, #tpu.memory_space<vmem>>
          %dma_start3A_220 = tpu.memref_squeeze %dma_start3A_219 : memref<1x40xi32, #tpu.memory_space<vmem>> -> memref<40xi32, #tpu.memory_space<vmem>>
          %dma_start3A_221 = arith.constant 0 : i32
          %dma_start3A_222 = arith.constant 0 : i32
          %dma_start3A_223 = tpu.memref_slice %arg2[%dma_start3A_221, %dma_start3A_222] : memref<160000x128xf32, #tpu.memory_space<hbm>> -> memref<160000x128xf32, #tpu.memory_space<hbm>>
          tpu.enqueue_indirect_dma source(%dma_start3A_223 : memref<160000x128xf32, #tpu.memory_space<hbm>>) target(%dma_start3A_217 : memref<40x128xf32, #tpu.memory_space<vmem>>) offsets(%dma_start3A_220 : memref<40xi32, #tpu.memory_space<vmem>>) semaphore(%arg16 : memref<!tpu.dma_semaphore, #tpu.memory_space<semaphore_mem>>)
        } else {
        }
        %mul3A_175 = arith.constant 3 : i32
        %mul3A_176 = arith.muli %mul3A_175, %add3A_119 : i32
        %add3A_177 = arith.constant 2 : i32
        %add3A_178 = arith.addi %mul3A_176, %add3A_177 : i32
        %dma_wait3A_179 = arith.constant 0 : i32
        %dma_wait3A_180 = arith.constant 0 : i32
        %dma_wait3A_181 = tpu.memref_slice %arg11[%dma_wait3A_179, %dma_wait3A_180] : memref<80x128xf32, #tpu.memory_space<vmem>> -> memref<40x128xf32, #tpu.memory_space<vmem>>
        %dma_wait3A_182 = arith.constant 0 : i32
        %dma_wait3A_183 = tpu.memref_slice %arg6[%add3A_178, %dma_wait3A_182] : memref<25x80xi32, #tpu.memory_space<vmem>> -> memref<1x40xi32, #tpu.memory_space<vmem>>
        %dma_wait3A_184 = tpu.memref_squeeze %dma_wait3A_183 : memref<1x40xi32, #tpu.memory_space<vmem>> -> memref<40xi32, #tpu.memory_space<vmem>>
        %dma_wait3A_185 = arith.constant 0 : i32
        %dma_wait3A_186 = arith.constant 0 : i32
        %dma_wait3A_187 = tpu.memref_slice %arg2[%dma_wait3A_185, %dma_wait3A_186] : memref<160000x128xf32, #tpu.memory_space<hbm>> -> memref<160000x128xf32, #tpu.memory_space<hbm>>
        tpu.wait_indirect_dma semaphore(%arg17 : memref<!tpu.dma_semaphore, #tpu.memory_space<semaphore_mem>>) src(%dma_wait3A_187 : memref<160000x128xf32, #tpu.memory_space<hbm>>) dst(%dma_wait3A_181 : memref<40x128xf32, #tpu.memory_space<vmem>>)
        %dma_wait3A_188 = arith.constant 40 : i32
        %dma_wait3A_189 = arith.constant 0 : i32
        %dma_wait3A_190 = tpu.memref_slice %arg11[%dma_wait3A_188, %dma_wait3A_189] : memref<80x128xf32, #tpu.memory_space<vmem>> -> memref<40x128xf32, #tpu.memory_space<vmem>>
        %dma_wait3A_191 = arith.constant 40 : i32
        %dma_wait3A_192 = tpu.memref_slice %arg6[%add3A_178, %dma_wait3A_191] : memref<25x80xi32, #tpu.memory_space<vmem>> -> memref<1x40xi32, #tpu.memory_space<vmem>>
        %dma_wait3A_193 = tpu.memref_squeeze %dma_wait3A_192 : memref<1x40xi32, #tpu.memory_space<vmem>> -> memref<40xi32, #tpu.memory_space<vmem>>
        %dma_wait3A_194 = arith.constant 0 : i32
        %dma_wait3A_195 = arith.constant 0 : i32
        %dma_wait3A_196 = tpu.memref_slice %arg2[%dma_wait3A_194, %dma_wait3A_195] : memref<160000x128xf32, #tpu.memory_space<hbm>> -> memref<160000x128xf32, #tpu.memory_space<hbm>>
        tpu.wait_indirect_dma semaphore(%arg18 : memref<!tpu.dma_semaphore, #tpu.memory_space<semaphore_mem>>) src(%dma_wait3A_196 : memref<160000x128xf32, #tpu.memory_space<hbm>>) dst(%dma_wait3A_190 : memref<40x128xf32, #tpu.memory_space<vmem>>)
        "tpu.region"() ({
          %run_scoped3A_204 = tpu.sem_alloc : memref<!tpu.dma_semaphore, #tpu.memory_space<semaphore_mem>>
          %dma_start3A_205 = arith.constant 0 : i32
          %dma_start3A_206 = tpu.memref_slice %arg8[%add3A_178, %dma_start3A_205] : memref<25x80xi32, #tpu.memory_space<vmem>> -> memref<1x80xi32, #tpu.memory_space<vmem>>
          %dma_start3A_207 = tpu.memref_squeeze %dma_start3A_206 : memref<1x80xi32, #tpu.memory_space<vmem>> -> memref<80xi32, #tpu.memory_space<vmem>>
          %dma_start3A_208 = arith.constant 0 : i32
          %dma_start3A_209 = arith.constant 0 : i32
          %dma_start3A_210 = tpu.memref_slice %arg12[%dma_start3A_208, %dma_start3A_209] : memref<10240x128xf32, #tpu.memory_space<vmem_shared>> -> memref<10240x128xf32, #tpu.memory_space<vmem_shared>>
          tpu.enqueue_indirect_dma source(%arg11 : memref<80x128xf32, #tpu.memory_space<vmem>>) target(%dma_start3A_210 : memref<10240x128xf32, #tpu.memory_space<vmem_shared>>) offsets(%dma_start3A_207 : memref<80xi32, #tpu.memory_space<vmem>>) semaphore(%run_scoped3A_204 : memref<!tpu.dma_semaphore, #tpu.memory_space<semaphore_mem>>) {add = true}
          %dma_wait3A_211 = arith.constant 0 : i32
          %dma_wait3A_212 = tpu.memref_slice %arg8[%add3A_178, %dma_wait3A_211] : memref<25x80xi32, #tpu.memory_space<vmem>> -> memref<1x80xi32, #tpu.memory_space<vmem>>
          %dma_wait3A_213 = tpu.memref_squeeze %dma_wait3A_212 : memref<1x80xi32, #tpu.memory_space<vmem>> -> memref<80xi32, #tpu.memory_space<vmem>>
          %dma_wait3A_214 = arith.constant 0 : i32
          %dma_wait3A_215 = arith.constant 0 : i32
          %dma_wait3A_216 = tpu.memref_slice %arg12[%dma_wait3A_214, %dma_wait3A_215] : memref<10240x128xf32, #tpu.memory_space<vmem_shared>> -> memref<10240x128xf32, #tpu.memory_space<vmem_shared>>
          tpu.wait_indirect_dma semaphore(%run_scoped3A_204 : memref<!tpu.dma_semaphore, #tpu.memory_space<semaphore_mem>>) src(%arg11 : memref<80x128xf32, #tpu.memory_space<vmem>>) dst(%dma_wait3A_216 : memref<10240x128xf32, #tpu.memory_space<vmem_shared>>)
          tpu.yield
        }) : () -> ()
        %add3A_197 = arith.constant 3 : i32
        %add3A_198 = arith.addi %add3A_178, %add3A_197 : i32
        %lt3A_199 = arith.constant 25 : i32
        %lt3A_200 = arith.cmpi slt, %add3A_198, %lt3A_199 : i32
        %convert_element_type3A_201 = arith.extui %lt3A_200 : i1 to i32
        %cond3A_202 = arith.constant 0 : i32
        %cond3A_203 = arith.cmpi ne, %convert_element_type3A_201, %cond3A_202 : i32
        scf.if %cond3A_203 {
          %add3A_204 = arith.constant 3 : i32
          %add3A_205 = arith.addi %add3A_178, %add3A_204 : i32
          %dma_start3A_206 = arith.constant 0 : i32
          %dma_start3A_207 = arith.constant 0 : i32
          %dma_start3A_208 = tpu.memref_slice %arg11[%dma_start3A_206, %dma_start3A_207] : memref<80x128xf32, #tpu.memory_space<vmem>> -> memref<40x128xf32, #tpu.memory_space<vmem>>
          %dma_start3A_209 = arith.constant 0 : i32
          %dma_start3A_210 = tpu.memref_slice %arg6[%add3A_205, %dma_start3A_209] : memref<25x80xi32, #tpu.memory_space<vmem>> -> memref<1x40xi32, #tpu.memory_space<vmem>>
          %dma_start3A_211 = tpu.memref_squeeze %dma_start3A_210 : memref<1x40xi32, #tpu.memory_space<vmem>> -> memref<40xi32, #tpu.memory_space<vmem>>
          %dma_start3A_212 = arith.constant 0 : i32
          %dma_start3A_213 = arith.constant 0 : i32
          %dma_start3A_214 = tpu.memref_slice %arg2[%dma_start3A_212, %dma_start3A_213] : memref<160000x128xf32, #tpu.memory_space<hbm>> -> memref<160000x128xf32, #tpu.memory_space<hbm>>
          tpu.enqueue_indirect_dma source(%dma_start3A_214 : memref<160000x128xf32, #tpu.memory_space<hbm>>) target(%dma_start3A_208 : memref<40x128xf32, #tpu.memory_space<vmem>>) offsets(%dma_start3A_211 : memref<40xi32, #tpu.memory_space<vmem>>) semaphore(%arg17 : memref<!tpu.dma_semaphore, #tpu.memory_space<semaphore_mem>>)
          %dma_start3A_215 = arith.constant 40 : i32
          %dma_start3A_216 = arith.constant 0 : i32
          %dma_start3A_217 = tpu.memref_slice %arg11[%dma_start3A_215, %dma_start3A_216] : memref<80x128xf32, #tpu.memory_space<vmem>> -> memref<40x128xf32, #tpu.memory_space<vmem>>
          %dma_start3A_218 = arith.constant 40 : i32
          %dma_start3A_219 = tpu.memref_slice %arg6[%add3A_205, %dma_start3A_218] : memref<25x80xi32, #tpu.memory_space<vmem>> -> memref<1x40xi32, #tpu.memory_space<vmem>>
          %dma_start3A_220 = tpu.memref_squeeze %dma_start3A_219 : memref<1x40xi32, #tpu.memory_space<vmem>> -> memref<40xi32, #tpu.memory_space<vmem>>
          %dma_start3A_221 = arith.constant 0 : i32
          %dma_start3A_222 = arith.constant 0 : i32
          %dma_start3A_223 = tpu.memref_slice %arg2[%dma_start3A_221, %dma_start3A_222] : memref<160000x128xf32, #tpu.memory_space<hbm>> -> memref<160000x128xf32, #tpu.memory_space<hbm>>
          tpu.enqueue_indirect_dma source(%dma_start3A_223 : memref<160000x128xf32, #tpu.memory_space<hbm>>) target(%dma_start3A_217 : memref<40x128xf32, #tpu.memory_space<vmem>>) offsets(%dma_start3A_220 : memref<40xi32, #tpu.memory_space<vmem>>) semaphore(%arg18 : memref<!tpu.dma_semaphore, #tpu.memory_space<semaphore_mem>>)
        } else {
        }
      }
      %scan3A_94 = arith.constant 8 : i32
      %dma_wait3A = arith.constant 24 : i32
      %dma_wait3A_95 = arith.constant 0 : i32
      %dma_wait3A_96 = arith.constant 0 : i32
      %dma_wait3A_97 = tpu.memref_slice %arg9[%dma_wait3A_95, %dma_wait3A_96] : memref<80x128xf32, #tpu.memory_space<vmem>> -> memref<40x128xf32, #tpu.memory_space<vmem>>
      %dma_wait3A_98 = arith.constant 0 : i32
      %dma_wait3A_99 = tpu.memref_slice %arg6[%dma_wait3A, %dma_wait3A_98] : memref<25x80xi32, #tpu.memory_space<vmem>> -> memref<1x40xi32, #tpu.memory_space<vmem>>
      %dma_wait3A_100 = tpu.memref_squeeze %dma_wait3A_99 : memref<1x40xi32, #tpu.memory_space<vmem>> -> memref<40xi32, #tpu.memory_space<vmem>>
      %dma_wait3A_101 = arith.constant 0 : i32
      %dma_wait3A_102 = arith.constant 0 : i32
      %dma_wait3A_103 = tpu.memref_slice %arg2[%dma_wait3A_101, %dma_wait3A_102] : memref<160000x128xf32, #tpu.memory_space<hbm>> -> memref<160000x128xf32, #tpu.memory_space<hbm>>
      tpu.wait_indirect_dma semaphore(%arg13 : memref<!tpu.dma_semaphore, #tpu.memory_space<semaphore_mem>>) src(%dma_wait3A_103 : memref<160000x128xf32, #tpu.memory_space<hbm>>) dst(%dma_wait3A_97 : memref<40x128xf32, #tpu.memory_space<vmem>>)
      %dma_wait3A_104 = arith.constant 24 : i32
      %dma_wait3A_105 = arith.constant 40 : i32
      %dma_wait3A_106 = arith.constant 0 : i32
      %dma_wait3A_107 = tpu.memref_slice %arg9[%dma_wait3A_105, %dma_wait3A_106] : memref<80x128xf32, #tpu.memory_space<vmem>> -> memref<40x128xf32, #tpu.memory_space<vmem>>
      %dma_wait3A_108 = arith.constant 40 : i32
      %dma_wait3A_109 = tpu.memref_slice %arg6[%dma_wait3A_104, %dma_wait3A_108] : memref<25x80xi32, #tpu.memory_space<vmem>> -> memref<1x40xi32, #tpu.memory_space<vmem>>
      %dma_wait3A_110 = tpu.memref_squeeze %dma_wait3A_109 : memref<1x40xi32, #tpu.memory_space<vmem>> -> memref<40xi32, #tpu.memory_space<vmem>>
      %dma_wait3A_111 = arith.constant 0 : i32
      %dma_wait3A_112 = arith.constant 0 : i32
      %dma_wait3A_113 = tpu.memref_slice %arg2[%dma_wait3A_111, %dma_wait3A_112] : memref<160000x128xf32, #tpu.memory_space<hbm>> -> memref<160000x128xf32, #tpu.memory_space<hbm>>
      tpu.wait_indirect_dma semaphore(%arg14 : memref<!tpu.dma_semaphore, #tpu.memory_space<semaphore_mem>>) src(%dma_wait3A_113 : memref<160000x128xf32, #tpu.memory_space<hbm>>) dst(%dma_wait3A_107 : memref<40x128xf32, #tpu.memory_space<vmem>>)
      %run_scoped3A_114 = arith.constant 24 : i32
      "tpu.region"() ({
        %run_scoped3A_115 = tpu.sem_alloc : memref<!tpu.dma_semaphore, #tpu.memory_space<semaphore_mem>>
        %dma_start3A_116 = arith.constant 0 : i32
        %dma_start3A_117 = tpu.memref_slice %arg8[%run_scoped3A_114, %dma_start3A_116] : memref<25x80xi32, #tpu.memory_space<vmem>> -> memref<1x80xi32, #tpu.memory_space<vmem>>
        %dma_start3A_118 = tpu.memref_squeeze %dma_start3A_117 : memref<1x80xi32, #tpu.memory_space<vmem>> -> memref<80xi32, #tpu.memory_space<vmem>>
        %dma_start3A_119 = arith.constant 0 : i32
        %dma_start3A_120 = arith.constant 0 : i32
        %dma_start3A_121 = tpu.memref_slice %arg12[%dma_start3A_119, %dma_start3A_120] : memref<10240x128xf32, #tpu.memory_space<vmem_shared>> -> memref<10240x128xf32, #tpu.memory_space<vmem_shared>>
        tpu.enqueue_indirect_dma source(%arg9 : memref<80x128xf32, #tpu.memory_space<vmem>>) target(%dma_start3A_121 : memref<10240x128xf32, #tpu.memory_space<vmem_shared>>) offsets(%dma_start3A_118 : memref<80xi32, #tpu.memory_space<vmem>>) semaphore(%run_scoped3A_115 : memref<!tpu.dma_semaphore, #tpu.memory_space<semaphore_mem>>) {add = true}
        %dma_wait3A_122 = arith.constant 0 : i32
        %dma_wait3A_123 = tpu.memref_slice %arg8[%run_scoped3A_114, %dma_wait3A_122] : memref<25x80xi32, #tpu.memory_space<vmem>> -> memref<1x80xi32, #tpu.memory_space<vmem>>
        %dma_wait3A_124 = tpu.memref_squeeze %dma_wait3A_123 : memref<1x80xi32, #tpu.memory_space<vmem>> -> memref<80xi32, #tpu.memory_space<vmem>>
        %dma_wait3A_125 = arith.constant 0 : i32
        %dma_wait3A_126 = arith.constant 0 : i32
        %dma_wait3A_127 = tpu.memref_slice %arg12[%dma_wait3A_125, %dma_wait3A_126] : memref<10240x128xf32, #tpu.memory_space<vmem_shared>> -> memref<10240x128xf32, #tpu.memory_space<vmem_shared>>
        tpu.wait_indirect_dma semaphore(%run_scoped3A_115 : memref<!tpu.dma_semaphore, #tpu.memory_space<semaphore_mem>>) src(%arg9 : memref<80x128xf32, #tpu.memory_space<vmem>>) dst(%dma_wait3A_127 : memref<10240x128xf32, #tpu.memory_space<vmem_shared>>)
        tpu.yield
      }) : () -> ()
    }
    %scan3A_14 = arith.constant 5 : i32
    %barrier3A_15 = arith.constant 0 : index
    tpu.barrier barrier_id(%barrier3A_15)
    %mul3A_16 = arith.constant 640 : i32
    %mul3A_17 = arith.muli %arg1, %mul3A_16 : i32
    %mul3A_18 = arith.constant 640 : i32
    %mul3A_19 = arith.muli %arg1, %mul3A_18 : i32
    "tpu.region"() ({
      %run_scoped3A = tpu.sem_alloc : memref<!tpu.dma_semaphore, #tpu.memory_space<semaphore_mem>>
      %dma_start3A = arith.constant 0 : i32
      %dma_start3A_20 = arith.constant 0 : i32
      %dma_start3A_21 = tpu.memref_slice %arg5[%arg0, %dma_start3A, %dma_start3A_20] : memref<2x10240x128xf32, #tpu.memory_space<hbm>> -> memref<1x10240x128xf32, #tpu.memory_space<hbm>>
      %dma_start3A_22 = tpu.memref_squeeze %dma_start3A_21 : memref<1x10240x128xf32, #tpu.memory_space<hbm>> -> memref<10240x128xf32, #tpu.memory_space<hbm>>
      %dma_start3A_23 = arith.constant 0 : i32
      %dma_start3A_24 = tpu.memref_slice %dma_start3A_22[%mul3A_19, %dma_start3A_23] : memref<10240x128xf32, #tpu.memory_space<hbm>> -> memref<640x128xf32, #tpu.memory_space<hbm>>
      %dma_start3A_25 = arith.constant 0 : i32
      %dma_start3A_26 = tpu.memref_slice %arg12[%mul3A_17, %dma_start3A_25] : memref<10240x128xf32, #tpu.memory_space<vmem_shared>> -> memref<640x128xf32, #tpu.memory_space<vmem_shared>>
      tpu.enqueue_dma source(%dma_start3A_26 : memref<640x128xf32, #tpu.memory_space<vmem_shared>>) target(%dma_start3A_24 : memref<640x128xf32, #tpu.memory_space<hbm>>) target_semaphore(%run_scoped3A : memref<!tpu.dma_semaphore, #tpu.memory_space<semaphore_mem>>)
      %dma_wait3A = arith.constant 0 : i32
      %dma_wait3A_27 = arith.constant 0 : i32
      %dma_wait3A_28 = tpu.memref_slice %arg5[%arg0, %dma_wait3A, %dma_wait3A_27] : memref<2x10240x128xf32, #tpu.memory_space<hbm>> -> memref<1x10240x128xf32, #tpu.memory_space<hbm>>
      %dma_wait3A_29 = tpu.memref_squeeze %dma_wait3A_28 : memref<1x10240x128xf32, #tpu.memory_space<hbm>> -> memref<10240x128xf32, #tpu.memory_space<hbm>>
      %dma_wait3A_30 = arith.constant 0 : i32
      %dma_wait3A_31 = tpu.memref_slice %dma_wait3A_29[%mul3A_19, %dma_wait3A_30] : memref<10240x128xf32, #tpu.memory_space<hbm>> -> memref<640x128xf32, #tpu.memory_space<hbm>>
      %dma_wait3A_32 = arith.constant 0 : i32
      %dma_wait3A_33 = tpu.memref_slice %arg12[%mul3A_17, %dma_wait3A_32] : memref<10240x128xf32, #tpu.memory_space<vmem_shared>> -> memref<640x128xf32, #tpu.memory_space<vmem_shared>>
      tpu.wait_dma2 semaphore(%run_scoped3A : memref<!tpu.dma_semaphore, #tpu.memory_space<semaphore_mem>>) src(%dma_wait3A_33 : memref<640x128xf32, #tpu.memory_space<vmem_shared>>) dst(%dma_wait3A_31 : memref<640x128xf32, #tpu.memory_space<hbm>>)
      tpu.yield
    }) : () -> ()
    return
  }
}

module attributes {stable_mosaic.version = 14 : i64} {
  func.func @_relu_body(%arg0: i32, %arg1: memref<2000x128xf32, #tpu.memory_space<vmem>>, %arg2: memref<2x2000x128xf32, #tpu.memory_space<vmem>>, %arg3: memref<2000x128xf32, #tpu.memory_space<vmem>>) attributes {dimension_semantics = [#tpu.dimension_semantics<arbitrary>], iteration_bounds = array<i64: 5>, scalar_prefetch = 0 : i64, scratch_operands = 0 : i64, tpu.core_type = #tpu.core_type<tc>, window_params = [{transform_indices = @transform_0, window_bounds = array<i64: 2000, 128>}, {transform_indices = @transform_1, window_bounds = array<i64: 2, 2000, 128>}, {transform_indices = @transform_2, window_bounds = array<i64: 2000, 128>}]} {
    %get3A = arith.constant 0 : index
    %get3A_0 = arith.constant 0 : index
    %get3A_1 = vector.load %arg1[%get3A, %get3A_0] : memref<2000x128xf32, #tpu.memory_space<vmem>>, vector<2000x128xf32>
    %get3A_2 = arith.constant 0 : index
    %get3A_3 = arith.constant 0 : index
    %get3A_4 = arith.constant 0 : index
    %get3A_5 = vector.load %arg2[%get3A_2, %get3A_3, %get3A_4] : memref<2x2000x128xf32, #tpu.memory_space<vmem>>, vector<1x2000x128xf32>
    %get3A_6 = vector.shape_cast %get3A_5 : vector<1x2000x128xf32> to vector<2000x128xf32>
    %add3A = arith.addf %get3A_1, %get3A_6 : vector<2000x128xf32>
    %get3A_7 = arith.constant 1 : index
    %get3A_8 = arith.constant 0 : index
    %get3A_9 = arith.constant 0 : index
    %get3A_10 = vector.load %arg2[%get3A_7, %get3A_8, %get3A_9] : memref<2x2000x128xf32, #tpu.memory_space<vmem>>, vector<1x2000x128xf32>
    %get3A_11 = vector.shape_cast %get3A_10 : vector<1x2000x128xf32> to vector<2000x128xf32>
    %add3A_12 = arith.addf %add3A, %get3A_11 : vector<2000x128xf32>
    %max3A = arith.constant 0.000000e+00 : f32
    %max3A_13 = vector.broadcast %max3A : f32 to vector<2000x128xf32>
    %max3A_14 = arith.maximumf %add3A_12, %max3A_13 : vector<2000x128xf32>
    %swap3A = arith.constant 0 : index
    %swap3A_15 = arith.constant 0 : index
    %swap3A_16 = vector.load %arg3[%swap3A, %swap3A_15] : memref<2000x128xf32, #tpu.memory_space<vmem>>, vector<2000x128xf32>
    tpu.vector_store %arg3[%swap3A, %swap3A_15], %max3A_14 {strides = array<i32>} : memref<2000x128xf32, #tpu.memory_space<vmem>>, vector<2000x128xf32>,
    return
  }
  func.func @transform_0(%arg0: i32) -> (i32, i32) {
    %c0_i32 = arith.constant 0 : i32
    %c0_i32_0 = arith.constant 0 : i32
    return %arg0, %c0_i32 : i32, i32
  }
  func.func @transform_1(%arg0: i32) -> (i32, i32, i32) {
    %c0_i32 = arith.constant 0 : i32
    %c0_i32_0 = arith.constant 0 : i32
    %c0_i32_1 = arith.constant 0 : i32
    return %c0_i32, %arg0, %c0_i32_0 : i32, i32, i32
  }
  func.func @transform_2(%arg0: i32) -> (i32, i32) {
    %c0_i32 = arith.constant 0 : i32
    %c0_i32_0 = arith.constant 0 : i32
    return %arg0, %c0_i32 : i32, i32
  }
}

module attributes {stable_mosaic.version = 14 : i64} {
  func.func @_h_body(%arg0: i32, %arg1: memref<400x128xf32, #tpu.memory_space<vmem>>, %arg2: memref<4x128x128xf32, #tpu.memory_space<vmem>>, %arg3: memref<16x4xf32, #tpu.memory_space<smem>>, %arg4: memref<128x128xf32, #tpu.memory_space<vmem>>, %arg5: memref<1x128xf32, #tpu.memory_space<vmem>>, %arg6: memref<16x400x128xf32, #tpu.memory_space<vmem>>, %arg7: memref<400x128xf32, #tpu.memory_space<vmem>>, %arg8: memref<128x2176xbf16, #tpu.memory_space<vmem>>) attributes {dimension_semantics = [#tpu.dimension_semantics<arbitrary>], iteration_bounds = array<i64: 25>, scalar_prefetch = 0 : i64, scratch_operands = 1 : i64, tpu.core_type = #tpu.core_type<tc>, window_params = [{transform_indices = @transform_0, window_bounds = array<i64: 400, 128>}, {pipeline_mode = #tpu.pipeline_mode<synchronous>, transform_indices = @transform_1, window_bounds = array<i64: 4, 128, 128>}, {transform_indices = @transform_2, window_bounds = array<i64: 16, 4>}, {pipeline_mode = #tpu.pipeline_mode<synchronous>, transform_indices = @transform_3, window_bounds = array<i64: 128, 128>}, {pipeline_mode = #tpu.pipeline_mode<synchronous>, transform_indices = @transform_4, window_bounds = array<i64: 1, 128>}, {transform_indices = @transform_5, window_bounds = array<i64: 16, 400, 128>}, {transform_indices = @transform_6, window_bounds = array<i64: 400, 128>}]} {
    %eq3A = arith.constant 0 : i32
    %eq3A_0 = arith.cmpi eq, %arg0, %eq3A : i32
    %convert_element_type3A = arith.extui %eq3A_0 : i1 to i32
    %cond3A = arith.constant 0 : i32
    %cond3A_1 = arith.cmpi ne, %convert_element_type3A, %cond3A : i32
    scf.if %cond3A_1 {
      %get3A_127 = arith.constant 0 : index
      %get3A_128 = arith.constant 0 : index
      %get3A_129 = memref.load %arg3[%get3A_127, %get3A_128] : memref<16x4xf32, #tpu.memory_space<smem>>
      %get3A_130 = arith.constant 0 : index
      %get3A_131 = arith.constant 0 : index
      %get3A_132 = arith.constant 0 : index
      %get3A_133 = vector.load %arg2[%get3A_130, %get3A_131, %get3A_132] : memref<4x128x128xf32, #tpu.memory_space<vmem>>, vector<1x128x128xf32>
      %get3A_134 = vector.shape_cast %get3A_133 : vector<1x128x128xf32> to vector<128x128xf32>
      %mul3A = vector.broadcast %get3A_129 : f32 to vector<128x128xf32>
      %mul3A_135 = arith.mulf %mul3A, %get3A_134 : vector<128x128xf32>
      %get3A_136 = arith.constant 0 : index
      %get3A_137 = arith.constant 1 : index
      %get3A_138 = memref.load %arg3[%get3A_136, %get3A_137] : memref<16x4xf32, #tpu.memory_space<smem>>
      %get3A_139 = arith.constant 1 : index
      %get3A_140 = arith.constant 0 : index
      %get3A_141 = arith.constant 0 : index
      %get3A_142 = vector.load %arg2[%get3A_139, %get3A_140, %get3A_141] : memref<4x128x128xf32, #tpu.memory_space<vmem>>, vector<1x128x128xf32>
      %get3A_143 = vector.shape_cast %get3A_142 : vector<1x128x128xf32> to vector<128x128xf32>
      %mul3A_144 = vector.broadcast %get3A_138 : f32 to vector<128x128xf32>
      %mul3A_145 = arith.mulf %mul3A_144, %get3A_143 : vector<128x128xf32>
      %add3A_146 = arith.addf %mul3A_135, %mul3A_145 : vector<128x128xf32>
      %get3A_147 = arith.constant 0 : index
      %get3A_148 = arith.constant 2 : index
      %get3A_149 = memref.load %arg3[%get3A_147, %get3A_148] : memref<16x4xf32, #tpu.memory_space<smem>>
      %get3A_150 = arith.constant 2 : index
      %get3A_151 = arith.constant 0 : index
      %get3A_152 = arith.constant 0 : index
      %get3A_153 = vector.load %arg2[%get3A_150, %get3A_151, %get3A_152] : memref<4x128x128xf32, #tpu.memory_space<vmem>>, vector<1x128x128xf32>
      %get3A_154 = vector.shape_cast %get3A_153 : vector<1x128x128xf32> to vector<128x128xf32>
      %mul3A_155 = vector.broadcast %get3A_149 : f32 to vector<128x128xf32>
      %mul3A_156 = arith.mulf %mul3A_155, %get3A_154 : vector<128x128xf32>
      %add3A_157 = arith.addf %add3A_146, %mul3A_156 : vector<128x128xf32>
      %get3A_158 = arith.constant 0 : index
      %get3A_159 = arith.constant 3 : index
      %get3A_160 = memref.load %arg3[%get3A_158, %get3A_159] : memref<16x4xf32, #tpu.memory_space<smem>>
      %get3A_161 = arith.constant 3 : index
      %get3A_162 = arith.constant 0 : index
      %get3A_163 = arith.constant 0 : index
      %get3A_164 = vector.load %arg2[%get3A_161, %get3A_162, %get3A_163] : memref<4x128x128xf32, #tpu.memory_space<vmem>>, vector<1x128x128xf32>
      %get3A_165 = vector.shape_cast %get3A_164 : vector<1x128x128xf32> to vector<128x128xf32>
      %mul3A_166 = vector.broadcast %get3A_160 : f32 to vector<128x128xf32>
      %mul3A_167 = arith.mulf %mul3A_166, %get3A_165 : vector<128x128xf32>
      %add3A_168 = arith.addf %add3A_157, %mul3A_167 : vector<128x128xf32>
      %convert_element_type3A_169 = arith.truncf %add3A_168 : vector<128x128xf32> to vector<128x128xbf16>
      %swap3A_170 = arith.constant 0 : index
      %swap3A_171 = arith.constant 0 : index
      %swap3A_172 = vector.load %arg8[%swap3A_170, %swap3A_171] : memref<128x2176xbf16, #tpu.memory_space<vmem>>, vector<128x128xbf16>
      tpu.vector_store %arg8[%swap3A_170, %swap3A_171], %convert_element_type3A_169 {strides = array<i32>} : memref<128x2176xbf16, #tpu.memory_space<vmem>>, vector<128x128xbf16>,
      %get3A_173 = arith.constant 1 : index
      %get3A_174 = arith.constant 0 : index
      %get3A_175 = memref.load %arg3[%get3A_173, %get3A_174] : memref<16x4xf32, #tpu.memory_space<smem>>
      %get3A_176 = arith.constant 0 : index
      %get3A_177 = arith.constant 0 : index
      %get3A_178 = arith.constant 0 : index
      %get3A_179 = vector.load %arg2[%get3A_176, %get3A_177, %get3A_178] : memref<4x128x128xf32, #tpu.memory_space<vmem>>, vector<1x128x128xf32>
      %get3A_180 = vector.shape_cast %get3A_179 : vector<1x128x128xf32> to vector<128x128xf32>
      %mul3A_181 = vector.broadcast %get3A_175 : f32 to vector<128x128xf32>
      %mul3A_182 = arith.mulf %mul3A_181, %get3A_180 : vector<128x128xf32>
      %get3A_183 = arith.constant 1 : index
      %get3A_184 = arith.constant 1 : index
      %get3A_185 = memref.load %arg3[%get3A_183, %get3A_184] : memref<16x4xf32, #tpu.memory_space<smem>>
      %get3A_186 = arith.constant 1 : index
      %get3A_187 = arith.constant 0 : index
      %get3A_188 = arith.constant 0 : index
      %get3A_189 = vector.load %arg2[%get3A_186, %get3A_187, %get3A_188] : memref<4x128x128xf32, #tpu.memory_space<vmem>>, vector<1x128x128xf32>
      %get3A_190 = vector.shape_cast %get3A_189 : vector<1x128x128xf32> to vector<128x128xf32>
      %mul3A_191 = vector.broadcast %get3A_185 : f32 to vector<128x128xf32>
      %mul3A_192 = arith.mulf %mul3A_191, %get3A_190 : vector<128x128xf32>
      %add3A_193 = arith.addf %mul3A_182, %mul3A_192 : vector<128x128xf32>
      %get3A_194 = arith.constant 1 : index
      %get3A_195 = arith.constant 2 : index
      %get3A_196 = memref.load %arg3[%get3A_194, %get3A_195] : memref<16x4xf32, #tpu.memory_space<smem>>
      %get3A_197 = arith.constant 2 : index
      %get3A_198 = arith.constant 0 : index
      %get3A_199 = arith.constant 0 : index
      %get3A_200 = vector.load %arg2[%get3A_197, %get3A_198, %get3A_199] : memref<4x128x128xf32, #tpu.memory_space<vmem>>, vector<1x128x128xf32>
      %get3A_201 = vector.shape_cast %get3A_200 : vector<1x128x128xf32> to vector<128x128xf32>
      %mul3A_202 = vector.broadcast %get3A_196 : f32 to vector<128x128xf32>
      %mul3A_203 = arith.mulf %mul3A_202, %get3A_201 : vector<128x128xf32>
      %add3A_204 = arith.addf %add3A_193, %mul3A_203 : vector<128x128xf32>
      %get3A_205 = arith.constant 1 : index
      %get3A_206 = arith.constant 3 : index
      %get3A_207 = memref.load %arg3[%get3A_205, %get3A_206] : memref<16x4xf32, #tpu.memory_space<smem>>
      %get3A_208 = arith.constant 3 : index
      %get3A_209 = arith.constant 0 : index
      %get3A_210 = arith.constant 0 : index
      %get3A_211 = vector.load %arg2[%get3A_208, %get3A_209, %get3A_210] : memref<4x128x128xf32, #tpu.memory_space<vmem>>, vector<1x128x128xf32>
      %get3A_212 = vector.shape_cast %get3A_211 : vector<1x128x128xf32> to vector<128x128xf32>
      %mul3A_213 = vector.broadcast %get3A_207 : f32 to vector<128x128xf32>
      %mul3A_214 = arith.mulf %mul3A_213, %get3A_212 : vector<128x128xf32>
      %add3A_215 = arith.addf %add3A_204, %mul3A_214 : vector<128x128xf32>
      %convert_element_type3A_216 = arith.truncf %add3A_215 : vector<128x128xf32> to vector<128x128xbf16>
      %swap3A_217 = arith.constant 0 : index
      %swap3A_218 = arith.constant 128 : index
      %swap3A_219 = vector.load %arg8[%swap3A_217, %swap3A_218] : memref<128x2176xbf16, #tpu.memory_space<vmem>>, vector<128x128xbf16>
      tpu.vector_store %arg8[%swap3A_217, %swap3A_218], %convert_element_type3A_216 {strides = array<i32>} : memref<128x2176xbf16, #tpu.memory_space<vmem>>, vector<128x128xbf16>,
      %get3A_220 = arith.constant 2 : index
      %get3A_221 = arith.constant 0 : index
      %get3A_222 = memref.load %arg3[%get3A_220, %get3A_221] : memref<16x4xf32, #tpu.memory_space<smem>>
      %get3A_223 = arith.constant 0 : index
      %get3A_224 = arith.constant 0 : index
      %get3A_225 = arith.constant 0 : index
      %get3A_226 = vector.load %arg2[%get3A_223, %get3A_224, %get3A_225] : memref<4x128x128xf32, #tpu.memory_space<vmem>>, vector<1x128x128xf32>
      %get3A_227 = vector.shape_cast %get3A_226 : vector<1x128x128xf32> to vector<128x128xf32>
      %mul3A_228 = vector.broadcast %get3A_222 : f32 to vector<128x128xf32>
      %mul3A_229 = arith.mulf %mul3A_228, %get3A_227 : vector<128x128xf32>
      %get3A_230 = arith.constant 2 : index
      %get3A_231 = arith.constant 1 : index
      %get3A_232 = memref.load %arg3[%get3A_230, %get3A_231] : memref<16x4xf32, #tpu.memory_space<smem>>
      %get3A_233 = arith.constant 1 : index
      %get3A_234 = arith.constant 0 : index
      %get3A_235 = arith.constant 0 : index
      %get3A_236 = vector.load %arg2[%get3A_233, %get3A_234, %get3A_235] : memref<4x128x128xf32, #tpu.memory_space<vmem>>, vector<1x128x128xf32>
      %get3A_237 = vector.shape_cast %get3A_236 : vector<1x128x128xf32> to vector<128x128xf32>
      %mul3A_238 = vector.broadcast %get3A_232 : f32 to vector<128x128xf32>
      %mul3A_239 = arith.mulf %mul3A_238, %get3A_237 : vector<128x128xf32>
      %add3A_240 = arith.addf %mul3A_229, %mul3A_239 : vector<128x128xf32>
      %get3A_241 = arith.constant 2 : index
      %get3A_242 = arith.constant 2 : index
      %get3A_243 = memref.load %arg3[%get3A_241, %get3A_242] : memref<16x4xf32, #tpu.memory_space<smem>>
      %get3A_244 = arith.constant 2 : index
      %get3A_245 = arith.constant 0 : index
      %get3A_246 = arith.constant 0 : index
      %get3A_247 = vector.load %arg2[%get3A_244, %get3A_245, %get3A_246] : memref<4x128x128xf32, #tpu.memory_space<vmem>>, vector<1x128x128xf32>
      %get3A_248 = vector.shape_cast %get3A_247 : vector<1x128x128xf32> to vector<128x128xf32>
      %mul3A_249 = vector.broadcast %get3A_243 : f32 to vector<128x128xf32>
      %mul3A_250 = arith.mulf %mul3A_249, %get3A_248 : vector<128x128xf32>
      %add3A_251 = arith.addf %add3A_240, %mul3A_250 : vector<128x128xf32>
      %get3A_252 = arith.constant 2 : index
      %get3A_253 = arith.constant 3 : index
      %get3A_254 = memref.load %arg3[%get3A_252, %get3A_253] : memref<16x4xf32, #tpu.memory_space<smem>>
      %get3A_255 = arith.constant 3 : index
      %get3A_256 = arith.constant 0 : index
      %get3A_257 = arith.constant 0 : index
      %get3A_258 = vector.load %arg2[%get3A_255, %get3A_256, %get3A_257] : memref<4x128x128xf32, #tpu.memory_space<vmem>>, vector<1x128x128xf32>
      %get3A_259 = vector.shape_cast %get3A_258 : vector<1x128x128xf32> to vector<128x128xf32>
      %mul3A_260 = vector.broadcast %get3A_254 : f32 to vector<128x128xf32>
      %mul3A_261 = arith.mulf %mul3A_260, %get3A_259 : vector<128x128xf32>
      %add3A_262 = arith.addf %add3A_251, %mul3A_261 : vector<128x128xf32>
      %convert_element_type3A_263 = arith.truncf %add3A_262 : vector<128x128xf32> to vector<128x128xbf16>
      %swap3A_264 = arith.constant 0 : index
      %swap3A_265 = arith.constant 256 : index
      %swap3A_266 = vector.load %arg8[%swap3A_264, %swap3A_265] : memref<128x2176xbf16, #tpu.memory_space<vmem>>, vector<128x128xbf16>
      tpu.vector_store %arg8[%swap3A_264, %swap3A_265], %convert_element_type3A_263 {strides = array<i32>} : memref<128x2176xbf16, #tpu.memory_space<vmem>>, vector<128x128xbf16>,
      %get3A_267 = arith.constant 3 : index
      %get3A_268 = arith.constant 0 : index
      %get3A_269 = memref.load %arg3[%get3A_267, %get3A_268] : memref<16x4xf32, #tpu.memory_space<smem>>
      %get3A_270 = arith.constant 0 : index
      %get3A_271 = arith.constant 0 : index
      %get3A_272 = arith.constant 0 : index
      %get3A_273 = vector.load %arg2[%get3A_270, %get3A_271, %get3A_272] : memref<4x128x128xf32, #tpu.memory_space<vmem>>, vector<1x128x128xf32>
      %get3A_274 = vector.shape_cast %get3A_273 : vector<1x128x128xf32> to vector<128x128xf32>
      %mul3A_275 = vector.broadcast %get3A_269 : f32 to vector<128x128xf32>
      %mul3A_276 = arith.mulf %mul3A_275, %get3A_274 : vector<128x128xf32>
      %get3A_277 = arith.constant 3 : index
      %get3A_278 = arith.constant 1 : index
      %get3A_279 = memref.load %arg3[%get3A_277, %get3A_278] : memref<16x4xf32, #tpu.memory_space<smem>>
      %get3A_280 = arith.constant 1 : index
      %get3A_281 = arith.constant 0 : index
      %get3A_282 = arith.constant 0 : index
      %get3A_283 = vector.load %arg2[%get3A_280, %get3A_281, %get3A_282] : memref<4x128x128xf32, #tpu.memory_space<vmem>>, vector<1x128x128xf32>
      %get3A_284 = vector.shape_cast %get3A_283 : vector<1x128x128xf32> to vector<128x128xf32>
      %mul3A_285 = vector.broadcast %get3A_279 : f32 to vector<128x128xf32>
      %mul3A_286 = arith.mulf %mul3A_285, %get3A_284 : vector<128x128xf32>
      %add3A_287 = arith.addf %mul3A_276, %mul3A_286 : vector<128x128xf32>
      %get3A_288 = arith.constant 3 : index
      %get3A_289 = arith.constant 2 : index
      %get3A_290 = memref.load %arg3[%get3A_288, %get3A_289] : memref<16x4xf32, #tpu.memory_space<smem>>
      %get3A_291 = arith.constant 2 : index
      %get3A_292 = arith.constant 0 : index
      %get3A_293 = arith.constant 0 : index
      %get3A_294 = vector.load %arg2[%get3A_291, %get3A_292, %get3A_293] : memref<4x128x128xf32, #tpu.memory_space<vmem>>, vector<1x128x128xf32>
      %get3A_295 = vector.shape_cast %get3A_294 : vector<1x128x128xf32> to vector<128x128xf32>
      %mul3A_296 = vector.broadcast %get3A_290 : f32 to vector<128x128xf32>
      %mul3A_297 = arith.mulf %mul3A_296, %get3A_295 : vector<128x128xf32>
      %add3A_298 = arith.addf %add3A_287, %mul3A_297 : vector<128x128xf32>
      %get3A_299 = arith.constant 3 : index
      %get3A_300 = arith.constant 3 : index
      %get3A_301 = memref.load %arg3[%get3A_299, %get3A_300] : memref<16x4xf32, #tpu.memory_space<smem>>
      %get3A_302 = arith.constant 3 : index
      %get3A_303 = arith.constant 0 : index
      %get3A_304 = arith.constant 0 : index
      %get3A_305 = vector.load %arg2[%get3A_302, %get3A_303, %get3A_304] : memref<4x128x128xf32, #tpu.memory_space<vmem>>, vector<1x128x128xf32>
      %get3A_306 = vector.shape_cast %get3A_305 : vector<1x128x128xf32> to vector<128x128xf32>
      %mul3A_307 = vector.broadcast %get3A_301 : f32 to vector<128x128xf32>
      %mul3A_308 = arith.mulf %mul3A_307, %get3A_306 : vector<128x128xf32>
      %add3A_309 = arith.addf %add3A_298, %mul3A_308 : vector<128x128xf32>
      %convert_element_type3A_310 = arith.truncf %add3A_309 : vector<128x128xf32> to vector<128x128xbf16>
      %swap3A_311 = arith.constant 0 : index
      %swap3A_312 = arith.constant 384 : index
      %swap3A_313 = vector.load %arg8[%swap3A_311, %swap3A_312] : memref<128x2176xbf16, #tpu.memory_space<vmem>>, vector<128x128xbf16>
      tpu.vector_store %arg8[%swap3A_311, %swap3A_312], %convert_element_type3A_310 {strides = array<i32>} : memref<128x2176xbf16, #tpu.memory_space<vmem>>, vector<128x128xbf16>,
      %get3A_314 = arith.constant 4 : index
      %get3A_315 = arith.constant 0 : index
      %get3A_316 = memref.load %arg3[%get3A_314, %get3A_315] : memref<16x4xf32, #tpu.memory_space<smem>>
      %get3A_317 = arith.constant 0 : index
      %get3A_318 = arith.constant 0 : index
      %get3A_319 = arith.constant 0 : index
      %get3A_320 = vector.load %arg2[%get3A_317, %get3A_318, %get3A_319] : memref<4x128x128xf32, #tpu.memory_space<vmem>>, vector<1x128x128xf32>
      %get3A_321 = vector.shape_cast %get3A_320 : vector<1x128x128xf32> to vector<128x128xf32>
      %mul3A_322 = vector.broadcast %get3A_316 : f32 to vector<128x128xf32>
      %mul3A_323 = arith.mulf %mul3A_322, %get3A_321 : vector<128x128xf32>
      %get3A_324 = arith.constant 4 : index
      %get3A_325 = arith.constant 1 : index
      %get3A_326 = memref.load %arg3[%get3A_324, %get3A_325] : memref<16x4xf32, #tpu.memory_space<smem>>
      %get3A_327 = arith.constant 1 : index
      %get3A_328 = arith.constant 0 : index
      %get3A_329 = arith.constant 0 : index
      %get3A_330 = vector.load %arg2[%get3A_327, %get3A_328, %get3A_329] : memref<4x128x128xf32, #tpu.memory_space<vmem>>, vector<1x128x128xf32>
      %get3A_331 = vector.shape_cast %get3A_330 : vector<1x128x128xf32> to vector<128x128xf32>
      %mul3A_332 = vector.broadcast %get3A_326 : f32 to vector<128x128xf32>
      %mul3A_333 = arith.mulf %mul3A_332, %get3A_331 : vector<128x128xf32>
      %add3A_334 = arith.addf %mul3A_323, %mul3A_333 : vector<128x128xf32>
      %get3A_335 = arith.constant 4 : index
      %get3A_336 = arith.constant 2 : index
      %get3A_337 = memref.load %arg3[%get3A_335, %get3A_336] : memref<16x4xf32, #tpu.memory_space<smem>>
      %get3A_338 = arith.constant 2 : index
      %get3A_339 = arith.constant 0 : index
      %get3A_340 = arith.constant 0 : index
      %get3A_341 = vector.load %arg2[%get3A_338, %get3A_339, %get3A_340] : memref<4x128x128xf32, #tpu.memory_space<vmem>>, vector<1x128x128xf32>
      %get3A_342 = vector.shape_cast %get3A_341 : vector<1x128x128xf32> to vector<128x128xf32>
      %mul3A_343 = vector.broadcast %get3A_337 : f32 to vector<128x128xf32>
      %mul3A_344 = arith.mulf %mul3A_343, %get3A_342 : vector<128x128xf32>
      %add3A_345 = arith.addf %add3A_334, %mul3A_344 : vector<128x128xf32>
      %get3A_346 = arith.constant 4 : index
      %get3A_347 = arith.constant 3 : index
      %get3A_348 = memref.load %arg3[%get3A_346, %get3A_347] : memref<16x4xf32, #tpu.memory_space<smem>>
      %get3A_349 = arith.constant 3 : index
      %get3A_350 = arith.constant 0 : index
      %get3A_351 = arith.constant 0 : index
      %get3A_352 = vector.load %arg2[%get3A_349, %get3A_350, %get3A_351] : memref<4x128x128xf32, #tpu.memory_space<vmem>>, vector<1x128x128xf32>
      %get3A_353 = vector.shape_cast %get3A_352 : vector<1x128x128xf32> to vector<128x128xf32>
      %mul3A_354 = vector.broadcast %get3A_348 : f32 to vector<128x128xf32>
      %mul3A_355 = arith.mulf %mul3A_354, %get3A_353 : vector<128x128xf32>
      %add3A_356 = arith.addf %add3A_345, %mul3A_355 : vector<128x128xf32>
      %convert_element_type3A_357 = arith.truncf %add3A_356 : vector<128x128xf32> to vector<128x128xbf16>
      %swap3A_358 = arith.constant 0 : index
      %swap3A_359 = arith.constant 512 : index
      %swap3A_360 = vector.load %arg8[%swap3A_358, %swap3A_359] : memref<128x2176xbf16, #tpu.memory_space<vmem>>, vector<128x128xbf16>
      tpu.vector_store %arg8[%swap3A_358, %swap3A_359], %convert_element_type3A_357 {strides = array<i32>} : memref<128x2176xbf16, #tpu.memory_space<vmem>>, vector<128x128xbf16>,
      %get3A_361 = arith.constant 5 : index
      %get3A_362 = arith.constant 0 : index
      %get3A_363 = memref.load %arg3[%get3A_361, %get3A_362] : memref<16x4xf32, #tpu.memory_space<smem>>
      %get3A_364 = arith.constant 0 : index
      %get3A_365 = arith.constant 0 : index
      %get3A_366 = arith.constant 0 : index
      %get3A_367 = vector.load %arg2[%get3A_364, %get3A_365, %get3A_366] : memref<4x128x128xf32, #tpu.memory_space<vmem>>, vector<1x128x128xf32>
      %get3A_368 = vector.shape_cast %get3A_367 : vector<1x128x128xf32> to vector<128x128xf32>
      %mul3A_369 = vector.broadcast %get3A_363 : f32 to vector<128x128xf32>
      %mul3A_370 = arith.mulf %mul3A_369, %get3A_368 : vector<128x128xf32>
      %get3A_371 = arith.constant 5 : index
      %get3A_372 = arith.constant 1 : index
      %get3A_373 = memref.load %arg3[%get3A_371, %get3A_372] : memref<16x4xf32, #tpu.memory_space<smem>>
      %get3A_374 = arith.constant 1 : index
      %get3A_375 = arith.constant 0 : index
      %get3A_376 = arith.constant 0 : index
      %get3A_377 = vector.load %arg2[%get3A_374, %get3A_375, %get3A_376] : memref<4x128x128xf32, #tpu.memory_space<vmem>>, vector<1x128x128xf32>
      %get3A_378 = vector.shape_cast %get3A_377 : vector<1x128x128xf32> to vector<128x128xf32>
      %mul3A_379 = vector.broadcast %get3A_373 : f32 to vector<128x128xf32>
      %mul3A_380 = arith.mulf %mul3A_379, %get3A_378 : vector<128x128xf32>
      %add3A_381 = arith.addf %mul3A_370, %mul3A_380 : vector<128x128xf32>
      %get3A_382 = arith.constant 5 : index
      %get3A_383 = arith.constant 2 : index
      %get3A_384 = memref.load %arg3[%get3A_382, %get3A_383] : memref<16x4xf32, #tpu.memory_space<smem>>
      %get3A_385 = arith.constant 2 : index
      %get3A_386 = arith.constant 0 : index
      %get3A_387 = arith.constant 0 : index
      %get3A_388 = vector.load %arg2[%get3A_385, %get3A_386, %get3A_387] : memref<4x128x128xf32, #tpu.memory_space<vmem>>, vector<1x128x128xf32>
      %get3A_389 = vector.shape_cast %get3A_388 : vector<1x128x128xf32> to vector<128x128xf32>
      %mul3A_390 = vector.broadcast %get3A_384 : f32 to vector<128x128xf32>
      %mul3A_391 = arith.mulf %mul3A_390, %get3A_389 : vector<128x128xf32>
      %add3A_392 = arith.addf %add3A_381, %mul3A_391 : vector<128x128xf32>
      %get3A_393 = arith.constant 5 : index
      %get3A_394 = arith.constant 3 : index
      %get3A_395 = memref.load %arg3[%get3A_393, %get3A_394] : memref<16x4xf32, #tpu.memory_space<smem>>
      %get3A_396 = arith.constant 3 : index
      %get3A_397 = arith.constant 0 : index
      %get3A_398 = arith.constant 0 : index
      %get3A_399 = vector.load %arg2[%get3A_396, %get3A_397, %get3A_398] : memref<4x128x128xf32, #tpu.memory_space<vmem>>, vector<1x128x128xf32>
      %get3A_400 = vector.shape_cast %get3A_399 : vector<1x128x128xf32> to vector<128x128xf32>
      %mul3A_401 = vector.broadcast %get3A_395 : f32 to vector<128x128xf32>
      %mul3A_402 = arith.mulf %mul3A_401, %get3A_400 : vector<128x128xf32>
      %add3A_403 = arith.addf %add3A_392, %mul3A_402 : vector<128x128xf32>
      %convert_element_type3A_404 = arith.truncf %add3A_403 : vector<128x128xf32> to vector<128x128xbf16>
      %swap3A_405 = arith.constant 0 : index
      %swap3A_406 = arith.constant 640 : index
      %swap3A_407 = vector.load %arg8[%swap3A_405, %swap3A_406] : memref<128x2176xbf16, #tpu.memory_space<vmem>>, vector<128x128xbf16>
      tpu.vector_store %arg8[%swap3A_405, %swap3A_406], %convert_element_type3A_404 {strides = array<i32>} : memref<128x2176xbf16, #tpu.memory_space<vmem>>, vector<128x128xbf16>,
      %get3A_408 = arith.constant 6 : index
      %get3A_409 = arith.constant 0 : index
      %get3A_410 = memref.load %arg3[%get3A_408, %get3A_409] : memref<16x4xf32, #tpu.memory_space<smem>>
      %get3A_411 = arith.constant 0 : index
      %get3A_412 = arith.constant 0 : index
      %get3A_413 = arith.constant 0 : index
      %get3A_414 = vector.load %arg2[%get3A_411, %get3A_412, %get3A_413] : memref<4x128x128xf32, #tpu.memory_space<vmem>>, vector<1x128x128xf32>
      %get3A_415 = vector.shape_cast %get3A_414 : vector<1x128x128xf32> to vector<128x128xf32>
      %mul3A_416 = vector.broadcast %get3A_410 : f32 to vector<128x128xf32>
      %mul3A_417 = arith.mulf %mul3A_416, %get3A_415 : vector<128x128xf32>
      %get3A_418 = arith.constant 6 : index
      %get3A_419 = arith.constant 1 : index
      %get3A_420 = memref.load %arg3[%get3A_418, %get3A_419] : memref<16x4xf32, #tpu.memory_space<smem>>
      %get3A_421 = arith.constant 1 : index
      %get3A_422 = arith.constant 0 : index
      %get3A_423 = arith.constant 0 : index
      %get3A_424 = vector.load %arg2[%get3A_421, %get3A_422, %get3A_423] : memref<4x128x128xf32, #tpu.memory_space<vmem>>, vector<1x128x128xf32>
      %get3A_425 = vector.shape_cast %get3A_424 : vector<1x128x128xf32> to vector<128x128xf32>
      %mul3A_426 = vector.broadcast %get3A_420 : f32 to vector<128x128xf32>
      %mul3A_427 = arith.mulf %mul3A_426, %get3A_425 : vector<128x128xf32>
      %add3A_428 = arith.addf %mul3A_417, %mul3A_427 : vector<128x128xf32>
      %get3A_429 = arith.constant 6 : index
      %get3A_430 = arith.constant 2 : index
      %get3A_431 = memref.load %arg3[%get3A_429, %get3A_430] : memref<16x4xf32, #tpu.memory_space<smem>>
      %get3A_432 = arith.constant 2 : index
      %get3A_433 = arith.constant 0 : index
      %get3A_434 = arith.constant 0 : index
      %get3A_435 = vector.load %arg2[%get3A_432, %get3A_433, %get3A_434] : memref<4x128x128xf32, #tpu.memory_space<vmem>>, vector<1x128x128xf32>
      %get3A_436 = vector.shape_cast %get3A_435 : vector<1x128x128xf32> to vector<128x128xf32>
      %mul3A_437 = vector.broadcast %get3A_431 : f32 to vector<128x128xf32>
      %mul3A_438 = arith.mulf %mul3A_437, %get3A_436 : vector<128x128xf32>
      %add3A_439 = arith.addf %add3A_428, %mul3A_438 : vector<128x128xf32>
      %get3A_440 = arith.constant 6 : index
      %get3A_441 = arith.constant 3 : index
      %get3A_442 = memref.load %arg3[%get3A_440, %get3A_441] : memref<16x4xf32, #tpu.memory_space<smem>>
      %get3A_443 = arith.constant 3 : index
      %get3A_444 = arith.constant 0 : index
      %get3A_445 = arith.constant 0 : index
      %get3A_446 = vector.load %arg2[%get3A_443, %get3A_444, %get3A_445] : memref<4x128x128xf32, #tpu.memory_space<vmem>>, vector<1x128x128xf32>
      %get3A_447 = vector.shape_cast %get3A_446 : vector<1x128x128xf32> to vector<128x128xf32>
      %mul3A_448 = vector.broadcast %get3A_442 : f32 to vector<128x128xf32>
      %mul3A_449 = arith.mulf %mul3A_448, %get3A_447 : vector<128x128xf32>
      %add3A_450 = arith.addf %add3A_439, %mul3A_449 : vector<128x128xf32>
      %convert_element_type3A_451 = arith.truncf %add3A_450 : vector<128x128xf32> to vector<128x128xbf16>
      %swap3A_452 = arith.constant 0 : index
      %swap3A_453 = arith.constant 768 : index
      %swap3A_454 = vector.load %arg8[%swap3A_452, %swap3A_453] : memref<128x2176xbf16, #tpu.memory_space<vmem>>, vector<128x128xbf16>
      tpu.vector_store %arg8[%swap3A_452, %swap3A_453], %convert_element_type3A_451 {strides = array<i32>} : memref<128x2176xbf16, #tpu.memory_space<vmem>>, vector<128x128xbf16>,
      %get3A_455 = arith.constant 7 : index
      %get3A_456 = arith.constant 0 : index
      %get3A_457 = memref.load %arg3[%get3A_455, %get3A_456] : memref<16x4xf32, #tpu.memory_space<smem>>
      %get3A_458 = arith.constant 0 : index
      %get3A_459 = arith.constant 0 : index
      %get3A_460 = arith.constant 0 : index
      %get3A_461 = vector.load %arg2[%get3A_458, %get3A_459, %get3A_460] : memref<4x128x128xf32, #tpu.memory_space<vmem>>, vector<1x128x128xf32>
      %get3A_462 = vector.shape_cast %get3A_461 : vector<1x128x128xf32> to vector<128x128xf32>
      %mul3A_463 = vector.broadcast %get3A_457 : f32 to vector<128x128xf32>
      %mul3A_464 = arith.mulf %mul3A_463, %get3A_462 : vector<128x128xf32>
      %get3A_465 = arith.constant 7 : index
      %get3A_466 = arith.constant 1 : index
      %get3A_467 = memref.load %arg3[%get3A_465, %get3A_466] : memref<16x4xf32, #tpu.memory_space<smem>>
      %get3A_468 = arith.constant 1 : index
      %get3A_469 = arith.constant 0 : index
      %get3A_470 = arith.constant 0 : index
      %get3A_471 = vector.load %arg2[%get3A_468, %get3A_469, %get3A_470] : memref<4x128x128xf32, #tpu.memory_space<vmem>>, vector<1x128x128xf32>
      %get3A_472 = vector.shape_cast %get3A_471 : vector<1x128x128xf32> to vector<128x128xf32>
      %mul3A_473 = vector.broadcast %get3A_467 : f32 to vector<128x128xf32>
      %mul3A_474 = arith.mulf %mul3A_473, %get3A_472 : vector<128x128xf32>
      %add3A_475 = arith.addf %mul3A_464, %mul3A_474 : vector<128x128xf32>
      %get3A_476 = arith.constant 7 : index
      %get3A_477 = arith.constant 2 : index
      %get3A_478 = memref.load %arg3[%get3A_476, %get3A_477] : memref<16x4xf32, #tpu.memory_space<smem>>
      %get3A_479 = arith.constant 2 : index
      %get3A_480 = arith.constant 0 : index
      %get3A_481 = arith.constant 0 : index
      %get3A_482 = vector.load %arg2[%get3A_479, %get3A_480, %get3A_481] : memref<4x128x128xf32, #tpu.memory_space<vmem>>, vector<1x128x128xf32>
      %get3A_483 = vector.shape_cast %get3A_482 : vector<1x128x128xf32> to vector<128x128xf32>
      %mul3A_484 = vector.broadcast %get3A_478 : f32 to vector<128x128xf32>
      %mul3A_485 = arith.mulf %mul3A_484, %get3A_483 : vector<128x128xf32>
      %add3A_486 = arith.addf %add3A_475, %mul3A_485 : vector<128x128xf32>
      %get3A_487 = arith.constant 7 : index
      %get3A_488 = arith.constant 3 : index
      %get3A_489 = memref.load %arg3[%get3A_487, %get3A_488] : memref<16x4xf32, #tpu.memory_space<smem>>
      %get3A_490 = arith.constant 3 : index
      %get3A_491 = arith.constant 0 : index
      %get3A_492 = arith.constant 0 : index
      %get3A_493 = vector.load %arg2[%get3A_490, %get3A_491, %get3A_492] : memref<4x128x128xf32, #tpu.memory_space<vmem>>, vector<1x128x128xf32>
      %get3A_494 = vector.shape_cast %get3A_493 : vector<1x128x128xf32> to vector<128x128xf32>
      %mul3A_495 = vector.broadcast %get3A_489 : f32 to vector<128x128xf32>
      %mul3A_496 = arith.mulf %mul3A_495, %get3A_494 : vector<128x128xf32>
      %add3A_497 = arith.addf %add3A_486, %mul3A_496 : vector<128x128xf32>
      %convert_element_type3A_498 = arith.truncf %add3A_497 : vector<128x128xf32> to vector<128x128xbf16>
      %swap3A_499 = arith.constant 0 : index
      %swap3A_500 = arith.constant 896 : index
      %swap3A_501 = vector.load %arg8[%swap3A_499, %swap3A_500] : memref<128x2176xbf16, #tpu.memory_space<vmem>>, vector<128x128xbf16>
      tpu.vector_store %arg8[%swap3A_499, %swap3A_500], %convert_element_type3A_498 {strides = array<i32>} : memref<128x2176xbf16, #tpu.memory_space<vmem>>, vector<128x128xbf16>,
      %get3A_502 = arith.constant 8 : index
      %get3A_503 = arith.constant 0 : index
      %get3A_504 = memref.load %arg3[%get3A_502, %get3A_503] : memref<16x4xf32, #tpu.memory_space<smem>>
      %get3A_505 = arith.constant 0 : index
      %get3A_506 = arith.constant 0 : index
      %get3A_507 = arith.constant 0 : index
      %get3A_508 = vector.load %arg2[%get3A_505, %get3A_506, %get3A_507] : memref<4x128x128xf32, #tpu.memory_space<vmem>>, vector<1x128x128xf32>
      %get3A_509 = vector.shape_cast %get3A_508 : vector<1x128x128xf32> to vector<128x128xf32>
      %mul3A_510 = vector.broadcast %get3A_504 : f32 to vector<128x128xf32>
      %mul3A_511 = arith.mulf %mul3A_510, %get3A_509 : vector<128x128xf32>
      %get3A_512 = arith.constant 8 : index
      %get3A_513 = arith.constant 1 : index
      %get3A_514 = memref.load %arg3[%get3A_512, %get3A_513] : memref<16x4xf32, #tpu.memory_space<smem>>
      %get3A_515 = arith.constant 1 : index
      %get3A_516 = arith.constant 0 : index
      %get3A_517 = arith.constant 0 : index
      %get3A_518 = vector.load %arg2[%get3A_515, %get3A_516, %get3A_517] : memref<4x128x128xf32, #tpu.memory_space<vmem>>, vector<1x128x128xf32>
      %get3A_519 = vector.shape_cast %get3A_518 : vector<1x128x128xf32> to vector<128x128xf32>
      %mul3A_520 = vector.broadcast %get3A_514 : f32 to vector<128x128xf32>
      %mul3A_521 = arith.mulf %mul3A_520, %get3A_519 : vector<128x128xf32>
      %add3A_522 = arith.addf %mul3A_511, %mul3A_521 : vector<128x128xf32>
      %get3A_523 = arith.constant 8 : index
      %get3A_524 = arith.constant 2 : index
      %get3A_525 = memref.load %arg3[%get3A_523, %get3A_524] : memref<16x4xf32, #tpu.memory_space<smem>>
      %get3A_526 = arith.constant 2 : index
      %get3A_527 = arith.constant 0 : index
      %get3A_528 = arith.constant 0 : index
      %get3A_529 = vector.load %arg2[%get3A_526, %get3A_527, %get3A_528] : memref<4x128x128xf32, #tpu.memory_space<vmem>>, vector<1x128x128xf32>
      %get3A_530 = vector.shape_cast %get3A_529 : vector<1x128x128xf32> to vector<128x128xf32>
      %mul3A_531 = vector.broadcast %get3A_525 : f32 to vector<128x128xf32>
      %mul3A_532 = arith.mulf %mul3A_531, %get3A_530 : vector<128x128xf32>
      %add3A_533 = arith.addf %add3A_522, %mul3A_532 : vector<128x128xf32>
      %get3A_534 = arith.constant 8 : index
      %get3A_535 = arith.constant 3 : index
      %get3A_536 = memref.load %arg3[%get3A_534, %get3A_535] : memref<16x4xf32, #tpu.memory_space<smem>>
      %get3A_537 = arith.constant 3 : index
      %get3A_538 = arith.constant 0 : index
      %get3A_539 = arith.constant 0 : index
      %get3A_540 = vector.load %arg2[%get3A_537, %get3A_538, %get3A_539] : memref<4x128x128xf32, #tpu.memory_space<vmem>>, vector<1x128x128xf32>
      %get3A_541 = vector.shape_cast %get3A_540 : vector<1x128x128xf32> to vector<128x128xf32>
      %mul3A_542 = vector.broadcast %get3A_536 : f32 to vector<128x128xf32>
      %mul3A_543 = arith.mulf %mul3A_542, %get3A_541 : vector<128x128xf32>
      %add3A_544 = arith.addf %add3A_533, %mul3A_543 : vector<128x128xf32>
      %convert_element_type3A_545 = arith.truncf %add3A_544 : vector<128x128xf32> to vector<128x128xbf16>
      %swap3A_546 = arith.constant 0 : index
      %swap3A_547 = arith.constant 1024 : index
      %swap3A_548 = vector.load %arg8[%swap3A_546, %swap3A_547] : memref<128x2176xbf16, #tpu.memory_space<vmem>>, vector<128x128xbf16>
      tpu.vector_store %arg8[%swap3A_546, %swap3A_547], %convert_element_type3A_545 {strides = array<i32>} : memref<128x2176xbf16, #tpu.memory_space<vmem>>, vector<128x128xbf16>,
      %get3A_549 = arith.constant 9 : index
      %get3A_550 = arith.constant 0 : index
      %get3A_551 = memref.load %arg3[%get3A_549, %get3A_550] : memref<16x4xf32, #tpu.memory_space<smem>>
      %get3A_552 = arith.constant 0 : index
      %get3A_553 = arith.constant 0 : index
      %get3A_554 = arith.constant 0 : index
      %get3A_555 = vector.load %arg2[%get3A_552, %get3A_553, %get3A_554] : memref<4x128x128xf32, #tpu.memory_space<vmem>>, vector<1x128x128xf32>
      %get3A_556 = vector.shape_cast %get3A_555 : vector<1x128x128xf32> to vector<128x128xf32>
      %mul3A_557 = vector.broadcast %get3A_551 : f32 to vector<128x128xf32>
      %mul3A_558 = arith.mulf %mul3A_557, %get3A_556 : vector<128x128xf32>
      %get3A_559 = arith.constant 9 : index
      %get3A_560 = arith.constant 1 : index
      %get3A_561 = memref.load %arg3[%get3A_559, %get3A_560] : memref<16x4xf32, #tpu.memory_space<smem>>
      %get3A_562 = arith.constant 1 : index
      %get3A_563 = arith.constant 0 : index
      %get3A_564 = arith.constant 0 : index
      %get3A_565 = vector.load %arg2[%get3A_562, %get3A_563, %get3A_564] : memref<4x128x128xf32, #tpu.memory_space<vmem>>, vector<1x128x128xf32>
      %get3A_566 = vector.shape_cast %get3A_565 : vector<1x128x128xf32> to vector<128x128xf32>
      %mul3A_567 = vector.broadcast %get3A_561 : f32 to vector<128x128xf32>
      %mul3A_568 = arith.mulf %mul3A_567, %get3A_566 : vector<128x128xf32>
      %add3A_569 = arith.addf %mul3A_558, %mul3A_568 : vector<128x128xf32>
      %get3A_570 = arith.constant 9 : index
      %get3A_571 = arith.constant 2 : index
      %get3A_572 = memref.load %arg3[%get3A_570, %get3A_571] : memref<16x4xf32, #tpu.memory_space<smem>>
      %get3A_573 = arith.constant 2 : index
      %get3A_574 = arith.constant 0 : index
      %get3A_575 = arith.constant 0 : index
      %get3A_576 = vector.load %arg2[%get3A_573, %get3A_574, %get3A_575] : memref<4x128x128xf32, #tpu.memory_space<vmem>>, vector<1x128x128xf32>
      %get3A_577 = vector.shape_cast %get3A_576 : vector<1x128x128xf32> to vector<128x128xf32>
      %mul3A_578 = vector.broadcast %get3A_572 : f32 to vector<128x128xf32>
      %mul3A_579 = arith.mulf %mul3A_578, %get3A_577 : vector<128x128xf32>
      %add3A_580 = arith.addf %add3A_569, %mul3A_579 : vector<128x128xf32>
      %get3A_581 = arith.constant 9 : index
      %get3A_582 = arith.constant 3 : index
      %get3A_583 = memref.load %arg3[%get3A_581, %get3A_582] : memref<16x4xf32, #tpu.memory_space<smem>>
      %get3A_584 = arith.constant 3 : index
      %get3A_585 = arith.constant 0 : index
      %get3A_586 = arith.constant 0 : index
      %get3A_587 = vector.load %arg2[%get3A_584, %get3A_585, %get3A_586] : memref<4x128x128xf32, #tpu.memory_space<vmem>>, vector<1x128x128xf32>
      %get3A_588 = vector.shape_cast %get3A_587 : vector<1x128x128xf32> to vector<128x128xf32>
      %mul3A_589 = vector.broadcast %get3A_583 : f32 to vector<128x128xf32>
      %mul3A_590 = arith.mulf %mul3A_589, %get3A_588 : vector<128x128xf32>
      %add3A_591 = arith.addf %add3A_580, %mul3A_590 : vector<128x128xf32>
      %convert_element_type3A_592 = arith.truncf %add3A_591 : vector<128x128xf32> to vector<128x128xbf16>
      %swap3A_593 = arith.constant 0 : index
      %swap3A_594 = arith.constant 1152 : index
      %swap3A_595 = vector.load %arg8[%swap3A_593, %swap3A_594] : memref<128x2176xbf16, #tpu.memory_space<vmem>>, vector<128x128xbf16>
      tpu.vector_store %arg8[%swap3A_593, %swap3A_594], %convert_element_type3A_592 {strides = array<i32>} : memref<128x2176xbf16, #tpu.memory_space<vmem>>, vector<128x128xbf16>,
      %get3A_596 = arith.constant 10 : index
      %get3A_597 = arith.constant 0 : index
      %get3A_598 = memref.load %arg3[%get3A_596, %get3A_597] : memref<16x4xf32, #tpu.memory_space<smem>>
      %get3A_599 = arith.constant 0 : index
      %get3A_600 = arith.constant 0 : index
      %get3A_601 = arith.constant 0 : index
      %get3A_602 = vector.load %arg2[%get3A_599, %get3A_600, %get3A_601] : memref<4x128x128xf32, #tpu.memory_space<vmem>>, vector<1x128x128xf32>
      %get3A_603 = vector.shape_cast %get3A_602 : vector<1x128x128xf32> to vector<128x128xf32>
      %mul3A_604 = vector.broadcast %get3A_598 : f32 to vector<128x128xf32>
      %mul3A_605 = arith.mulf %mul3A_604, %get3A_603 : vector<128x128xf32>
      %get3A_606 = arith.constant 10 : index
      %get3A_607 = arith.constant 1 : index
      %get3A_608 = memref.load %arg3[%get3A_606, %get3A_607] : memref<16x4xf32, #tpu.memory_space<smem>>
      %get3A_609 = arith.constant 1 : index
      %get3A_610 = arith.constant 0 : index
      %get3A_611 = arith.constant 0 : index
      %get3A_612 = vector.load %arg2[%get3A_609, %get3A_610, %get3A_611] : memref<4x128x128xf32, #tpu.memory_space<vmem>>, vector<1x128x128xf32>
      %get3A_613 = vector.shape_cast %get3A_612 : vector<1x128x128xf32> to vector<128x128xf32>
      %mul3A_614 = vector.broadcast %get3A_608 : f32 to vector<128x128xf32>
      %mul3A_615 = arith.mulf %mul3A_614, %get3A_613 : vector<128x128xf32>
      %add3A_616 = arith.addf %mul3A_605, %mul3A_615 : vector<128x128xf32>
      %get3A_617 = arith.constant 10 : index
      %get3A_618 = arith.constant 2 : index
      %get3A_619 = memref.load %arg3[%get3A_617, %get3A_618] : memref<16x4xf32, #tpu.memory_space<smem>>
      %get3A_620 = arith.constant 2 : index
      %get3A_621 = arith.constant 0 : index
      %get3A_622 = arith.constant 0 : index
      %get3A_623 = vector.load %arg2[%get3A_620, %get3A_621, %get3A_622] : memref<4x128x128xf32, #tpu.memory_space<vmem>>, vector<1x128x128xf32>
      %get3A_624 = vector.shape_cast %get3A_623 : vector<1x128x128xf32> to vector<128x128xf32>
      %mul3A_625 = vector.broadcast %get3A_619 : f32 to vector<128x128xf32>
      %mul3A_626 = arith.mulf %mul3A_625, %get3A_624 : vector<128x128xf32>
      %add3A_627 = arith.addf %add3A_616, %mul3A_626 : vector<128x128xf32>
      %get3A_628 = arith.constant 10 : index
      %get3A_629 = arith.constant 3 : index
      %get3A_630 = memref.load %arg3[%get3A_628, %get3A_629] : memref<16x4xf32, #tpu.memory_space<smem>>
      %get3A_631 = arith.constant 3 : index
      %get3A_632 = arith.constant 0 : index
      %get3A_633 = arith.constant 0 : index
      %get3A_634 = vector.load %arg2[%get3A_631, %get3A_632, %get3A_633] : memref<4x128x128xf32, #tpu.memory_space<vmem>>, vector<1x128x128xf32>
      %get3A_635 = vector.shape_cast %get3A_634 : vector<1x128x128xf32> to vector<128x128xf32>
      %mul3A_636 = vector.broadcast %get3A_630 : f32 to vector<128x128xf32>
      %mul3A_637 = arith.mulf %mul3A_636, %get3A_635 : vector<128x128xf32>
      %add3A_638 = arith.addf %add3A_627, %mul3A_637 : vector<128x128xf32>
      %convert_element_type3A_639 = arith.truncf %add3A_638 : vector<128x128xf32> to vector<128x128xbf16>
      %swap3A_640 = arith.constant 0 : index
      %swap3A_641 = arith.constant 1280 : index
      %swap3A_642 = vector.load %arg8[%swap3A_640, %swap3A_641] : memref<128x2176xbf16, #tpu.memory_space<vmem>>, vector<128x128xbf16>
      tpu.vector_store %arg8[%swap3A_640, %swap3A_641], %convert_element_type3A_639 {strides = array<i32>} : memref<128x2176xbf16, #tpu.memory_space<vmem>>, vector<128x128xbf16>,
      %get3A_643 = arith.constant 11 : index
      %get3A_644 = arith.constant 0 : index
      %get3A_645 = memref.load %arg3[%get3A_643, %get3A_644] : memref<16x4xf32, #tpu.memory_space<smem>>
      %get3A_646 = arith.constant 0 : index
      %get3A_647 = arith.constant 0 : index
      %get3A_648 = arith.constant 0 : index
      %get3A_649 = vector.load %arg2[%get3A_646, %get3A_647, %get3A_648] : memref<4x128x128xf32, #tpu.memory_space<vmem>>, vector<1x128x128xf32>
      %get3A_650 = vector.shape_cast %get3A_649 : vector<1x128x128xf32> to vector<128x128xf32>
      %mul3A_651 = vector.broadcast %get3A_645 : f32 to vector<128x128xf32>
      %mul3A_652 = arith.mulf %mul3A_651, %get3A_650 : vector<128x128xf32>
      %get3A_653 = arith.constant 11 : index
      %get3A_654 = arith.constant 1 : index
      %get3A_655 = memref.load %arg3[%get3A_653, %get3A_654] : memref<16x4xf32, #tpu.memory_space<smem>>
      %get3A_656 = arith.constant 1 : index
      %get3A_657 = arith.constant 0 : index
      %get3A_658 = arith.constant 0 : index
      %get3A_659 = vector.load %arg2[%get3A_656, %get3A_657, %get3A_658] : memref<4x128x128xf32, #tpu.memory_space<vmem>>, vector<1x128x128xf32>
      %get3A_660 = vector.shape_cast %get3A_659 : vector<1x128x128xf32> to vector<128x128xf32>
      %mul3A_661 = vector.broadcast %get3A_655 : f32 to vector<128x128xf32>
      %mul3A_662 = arith.mulf %mul3A_661, %get3A_660 : vector<128x128xf32>
      %add3A_663 = arith.addf %mul3A_652, %mul3A_662 : vector<128x128xf32>
      %get3A_664 = arith.constant 11 : index
      %get3A_665 = arith.constant 2 : index
      %get3A_666 = memref.load %arg3[%get3A_664, %get3A_665] : memref<16x4xf32, #tpu.memory_space<smem>>
      %get3A_667 = arith.constant 2 : index
      %get3A_668 = arith.constant 0 : index
      %get3A_669 = arith.constant 0 : index
      %get3A_670 = vector.load %arg2[%get3A_667, %get3A_668, %get3A_669] : memref<4x128x128xf32, #tpu.memory_space<vmem>>, vector<1x128x128xf32>
      %get3A_671 = vector.shape_cast %get3A_670 : vector<1x128x128xf32> to vector<128x128xf32>
      %mul3A_672 = vector.broadcast %get3A_666 : f32 to vector<128x128xf32>
      %mul3A_673 = arith.mulf %mul3A_672, %get3A_671 : vector<128x128xf32>
      %add3A_674 = arith.addf %add3A_663, %mul3A_673 : vector<128x128xf32>
      %get3A_675 = arith.constant 11 : index
      %get3A_676 = arith.constant 3 : index
      %get3A_677 = memref.load %arg3[%get3A_675, %get3A_676] : memref<16x4xf32, #tpu.memory_space<smem>>
      %get3A_678 = arith.constant 3 : index
      %get3A_679 = arith.constant 0 : index
      %get3A_680 = arith.constant 0 : index
      %get3A_681 = vector.load %arg2[%get3A_678, %get3A_679, %get3A_680] : memref<4x128x128xf32, #tpu.memory_space<vmem>>, vector<1x128x128xf32>
      %get3A_682 = vector.shape_cast %get3A_681 : vector<1x128x128xf32> to vector<128x128xf32>
      %mul3A_683 = vector.broadcast %get3A_677 : f32 to vector<128x128xf32>
      %mul3A_684 = arith.mulf %mul3A_683, %get3A_682 : vector<128x128xf32>
      %add3A_685 = arith.addf %add3A_674, %mul3A_684 : vector<128x128xf32>
      %convert_element_type3A_686 = arith.truncf %add3A_685 : vector<128x128xf32> to vector<128x128xbf16>
      %swap3A_687 = arith.constant 0 : index
      %swap3A_688 = arith.constant 1408 : index
      %swap3A_689 = vector.load %arg8[%swap3A_687, %swap3A_688] : memref<128x2176xbf16, #tpu.memory_space<vmem>>, vector<128x128xbf16>
      tpu.vector_store %arg8[%swap3A_687, %swap3A_688], %convert_element_type3A_686 {strides = array<i32>} : memref<128x2176xbf16, #tpu.memory_space<vmem>>, vector<128x128xbf16>,
      %get3A_690 = arith.constant 12 : index
      %get3A_691 = arith.constant 0 : index
      %get3A_692 = memref.load %arg3[%get3A_690, %get3A_691] : memref<16x4xf32, #tpu.memory_space<smem>>
      %get3A_693 = arith.constant 0 : index
      %get3A_694 = arith.constant 0 : index
      %get3A_695 = arith.constant 0 : index
      %get3A_696 = vector.load %arg2[%get3A_693, %get3A_694, %get3A_695] : memref<4x128x128xf32, #tpu.memory_space<vmem>>, vector<1x128x128xf32>
      %get3A_697 = vector.shape_cast %get3A_696 : vector<1x128x128xf32> to vector<128x128xf32>
      %mul3A_698 = vector.broadcast %get3A_692 : f32 to vector<128x128xf32>
      %mul3A_699 = arith.mulf %mul3A_698, %get3A_697 : vector<128x128xf32>
      %get3A_700 = arith.constant 12 : index
      %get3A_701 = arith.constant 1 : index
      %get3A_702 = memref.load %arg3[%get3A_700, %get3A_701] : memref<16x4xf32, #tpu.memory_space<smem>>
      %get3A_703 = arith.constant 1 : index
      %get3A_704 = arith.constant 0 : index
      %get3A_705 = arith.constant 0 : index
      %get3A_706 = vector.load %arg2[%get3A_703, %get3A_704, %get3A_705] : memref<4x128x128xf32, #tpu.memory_space<vmem>>, vector<1x128x128xf32>
      %get3A_707 = vector.shape_cast %get3A_706 : vector<1x128x128xf32> to vector<128x128xf32>
      %mul3A_708 = vector.broadcast %get3A_702 : f32 to vector<128x128xf32>
      %mul3A_709 = arith.mulf %mul3A_708, %get3A_707 : vector<128x128xf32>
      %add3A_710 = arith.addf %mul3A_699, %mul3A_709 : vector<128x128xf32>
      %get3A_711 = arith.constant 12 : index
      %get3A_712 = arith.constant 2 : index
      %get3A_713 = memref.load %arg3[%get3A_711, %get3A_712] : memref<16x4xf32, #tpu.memory_space<smem>>
      %get3A_714 = arith.constant 2 : index
      %get3A_715 = arith.constant 0 : index
      %get3A_716 = arith.constant 0 : index
      %get3A_717 = vector.load %arg2[%get3A_714, %get3A_715, %get3A_716] : memref<4x128x128xf32, #tpu.memory_space<vmem>>, vector<1x128x128xf32>
      %get3A_718 = vector.shape_cast %get3A_717 : vector<1x128x128xf32> to vector<128x128xf32>
      %mul3A_719 = vector.broadcast %get3A_713 : f32 to vector<128x128xf32>
      %mul3A_720 = arith.mulf %mul3A_719, %get3A_718 : vector<128x128xf32>
      %add3A_721 = arith.addf %add3A_710, %mul3A_720 : vector<128x128xf32>
      %get3A_722 = arith.constant 12 : index
      %get3A_723 = arith.constant 3 : index
      %get3A_724 = memref.load %arg3[%get3A_722, %get3A_723] : memref<16x4xf32, #tpu.memory_space<smem>>
      %get3A_725 = arith.constant 3 : index
      %get3A_726 = arith.constant 0 : index
      %get3A_727 = arith.constant 0 : index
      %get3A_728 = vector.load %arg2[%get3A_725, %get3A_726, %get3A_727] : memref<4x128x128xf32, #tpu.memory_space<vmem>>, vector<1x128x128xf32>
      %get3A_729 = vector.shape_cast %get3A_728 : vector<1x128x128xf32> to vector<128x128xf32>
      %mul3A_730 = vector.broadcast %get3A_724 : f32 to vector<128x128xf32>
      %mul3A_731 = arith.mulf %mul3A_730, %get3A_729 : vector<128x128xf32>
      %add3A_732 = arith.addf %add3A_721, %mul3A_731 : vector<128x128xf32>
      %convert_element_type3A_733 = arith.truncf %add3A_732 : vector<128x128xf32> to vector<128x128xbf16>
      %swap3A_734 = arith.constant 0 : index
      %swap3A_735 = arith.constant 1536 : index
      %swap3A_736 = vector.load %arg8[%swap3A_734, %swap3A_735] : memref<128x2176xbf16, #tpu.memory_space<vmem>>, vector<128x128xbf16>
      tpu.vector_store %arg8[%swap3A_734, %swap3A_735], %convert_element_type3A_733 {strides = array<i32>} : memref<128x2176xbf16, #tpu.memory_space<vmem>>, vector<128x128xbf16>,
      %get3A_737 = arith.constant 13 : index
      %get3A_738 = arith.constant 0 : index
      %get3A_739 = memref.load %arg3[%get3A_737, %get3A_738] : memref<16x4xf32, #tpu.memory_space<smem>>
      %get3A_740 = arith.constant 0 : index
      %get3A_741 = arith.constant 0 : index
      %get3A_742 = arith.constant 0 : index
      %get3A_743 = vector.load %arg2[%get3A_740, %get3A_741, %get3A_742] : memref<4x128x128xf32, #tpu.memory_space<vmem>>, vector<1x128x128xf32>
      %get3A_744 = vector.shape_cast %get3A_743 : vector<1x128x128xf32> to vector<128x128xf32>
      %mul3A_745 = vector.broadcast %get3A_739 : f32 to vector<128x128xf32>
      %mul3A_746 = arith.mulf %mul3A_745, %get3A_744 : vector<128x128xf32>
      %get3A_747 = arith.constant 13 : index
      %get3A_748 = arith.constant 1 : index
      %get3A_749 = memref.load %arg3[%get3A_747, %get3A_748] : memref<16x4xf32, #tpu.memory_space<smem>>
      %get3A_750 = arith.constant 1 : index
      %get3A_751 = arith.constant 0 : index
      %get3A_752 = arith.constant 0 : index
      %get3A_753 = vector.load %arg2[%get3A_750, %get3A_751, %get3A_752] : memref<4x128x128xf32, #tpu.memory_space<vmem>>, vector<1x128x128xf32>
      %get3A_754 = vector.shape_cast %get3A_753 : vector<1x128x128xf32> to vector<128x128xf32>
      %mul3A_755 = vector.broadcast %get3A_749 : f32 to vector<128x128xf32>
      %mul3A_756 = arith.mulf %mul3A_755, %get3A_754 : vector<128x128xf32>
      %add3A_757 = arith.addf %mul3A_746, %mul3A_756 : vector<128x128xf32>
      %get3A_758 = arith.constant 13 : index
      %get3A_759 = arith.constant 2 : index
      %get3A_760 = memref.load %arg3[%get3A_758, %get3A_759] : memref<16x4xf32, #tpu.memory_space<smem>>
      %get3A_761 = arith.constant 2 : index
      %get3A_762 = arith.constant 0 : index
      %get3A_763 = arith.constant 0 : index
      %get3A_764 = vector.load %arg2[%get3A_761, %get3A_762, %get3A_763] : memref<4x128x128xf32, #tpu.memory_space<vmem>>, vector<1x128x128xf32>
      %get3A_765 = vector.shape_cast %get3A_764 : vector<1x128x128xf32> to vector<128x128xf32>
      %mul3A_766 = vector.broadcast %get3A_760 : f32 to vector<128x128xf32>
      %mul3A_767 = arith.mulf %mul3A_766, %get3A_765 : vector<128x128xf32>
      %add3A_768 = arith.addf %add3A_757, %mul3A_767 : vector<128x128xf32>
      %get3A_769 = arith.constant 13 : index
      %get3A_770 = arith.constant 3 : index
      %get3A_771 = memref.load %arg3[%get3A_769, %get3A_770] : memref<16x4xf32, #tpu.memory_space<smem>>
      %get3A_772 = arith.constant 3 : index
      %get3A_773 = arith.constant 0 : index
      %get3A_774 = arith.constant 0 : index
      %get3A_775 = vector.load %arg2[%get3A_772, %get3A_773, %get3A_774] : memref<4x128x128xf32, #tpu.memory_space<vmem>>, vector<1x128x128xf32>
      %get3A_776 = vector.shape_cast %get3A_775 : vector<1x128x128xf32> to vector<128x128xf32>
      %mul3A_777 = vector.broadcast %get3A_771 : f32 to vector<128x128xf32>
      %mul3A_778 = arith.mulf %mul3A_777, %get3A_776 : vector<128x128xf32>
      %add3A_779 = arith.addf %add3A_768, %mul3A_778 : vector<128x128xf32>
      %convert_element_type3A_780 = arith.truncf %add3A_779 : vector<128x128xf32> to vector<128x128xbf16>
      %swap3A_781 = arith.constant 0 : index
      %swap3A_782 = arith.constant 1664 : index
      %swap3A_783 = vector.load %arg8[%swap3A_781, %swap3A_782] : memref<128x2176xbf16, #tpu.memory_space<vmem>>, vector<128x128xbf16>
      tpu.vector_store %arg8[%swap3A_781, %swap3A_782], %convert_element_type3A_780 {strides = array<i32>} : memref<128x2176xbf16, #tpu.memory_space<vmem>>, vector<128x128xbf16>,
      %get3A_784 = arith.constant 14 : index
      %get3A_785 = arith.constant 0 : index
      %get3A_786 = memref.load %arg3[%get3A_784, %get3A_785] : memref<16x4xf32, #tpu.memory_space<smem>>
      %get3A_787 = arith.constant 0 : index
      %get3A_788 = arith.constant 0 : index
      %get3A_789 = arith.constant 0 : index
      %get3A_790 = vector.load %arg2[%get3A_787, %get3A_788, %get3A_789] : memref<4x128x128xf32, #tpu.memory_space<vmem>>, vector<1x128x128xf32>
      %get3A_791 = vector.shape_cast %get3A_790 : vector<1x128x128xf32> to vector<128x128xf32>
      %mul3A_792 = vector.broadcast %get3A_786 : f32 to vector<128x128xf32>
      %mul3A_793 = arith.mulf %mul3A_792, %get3A_791 : vector<128x128xf32>
      %get3A_794 = arith.constant 14 : index
      %get3A_795 = arith.constant 1 : index
      %get3A_796 = memref.load %arg3[%get3A_794, %get3A_795] : memref<16x4xf32, #tpu.memory_space<smem>>
      %get3A_797 = arith.constant 1 : index
      %get3A_798 = arith.constant 0 : index
      %get3A_799 = arith.constant 0 : index
      %get3A_800 = vector.load %arg2[%get3A_797, %get3A_798, %get3A_799] : memref<4x128x128xf32, #tpu.memory_space<vmem>>, vector<1x128x128xf32>
      %get3A_801 = vector.shape_cast %get3A_800 : vector<1x128x128xf32> to vector<128x128xf32>
      %mul3A_802 = vector.broadcast %get3A_796 : f32 to vector<128x128xf32>
      %mul3A_803 = arith.mulf %mul3A_802, %get3A_801 : vector<128x128xf32>
      %add3A_804 = arith.addf %mul3A_793, %mul3A_803 : vector<128x128xf32>
      %get3A_805 = arith.constant 14 : index
      %get3A_806 = arith.constant 2 : index
      %get3A_807 = memref.load %arg3[%get3A_805, %get3A_806] : memref<16x4xf32, #tpu.memory_space<smem>>
      %get3A_808 = arith.constant 2 : index
      %get3A_809 = arith.constant 0 : index
      %get3A_810 = arith.constant 0 : index
      %get3A_811 = vector.load %arg2[%get3A_808, %get3A_809, %get3A_810] : memref<4x128x128xf32, #tpu.memory_space<vmem>>, vector<1x128x128xf32>
      %get3A_812 = vector.shape_cast %get3A_811 : vector<1x128x128xf32> to vector<128x128xf32>
      %mul3A_813 = vector.broadcast %get3A_807 : f32 to vector<128x128xf32>
      %mul3A_814 = arith.mulf %mul3A_813, %get3A_812 : vector<128x128xf32>
      %add3A_815 = arith.addf %add3A_804, %mul3A_814 : vector<128x128xf32>
      %get3A_816 = arith.constant 14 : index
      %get3A_817 = arith.constant 3 : index
      %get3A_818 = memref.load %arg3[%get3A_816, %get3A_817] : memref<16x4xf32, #tpu.memory_space<smem>>
      %get3A_819 = arith.constant 3 : index
      %get3A_820 = arith.constant 0 : index
      %get3A_821 = arith.constant 0 : index
      %get3A_822 = vector.load %arg2[%get3A_819, %get3A_820, %get3A_821] : memref<4x128x128xf32, #tpu.memory_space<vmem>>, vector<1x128x128xf32>
      %get3A_823 = vector.shape_cast %get3A_822 : vector<1x128x128xf32> to vector<128x128xf32>
      %mul3A_824 = vector.broadcast %get3A_818 : f32 to vector<128x128xf32>
      %mul3A_825 = arith.mulf %mul3A_824, %get3A_823 : vector<128x128xf32>
      %add3A_826 = arith.addf %add3A_815, %mul3A_825 : vector<128x128xf32>
      %convert_element_type3A_827 = arith.truncf %add3A_826 : vector<128x128xf32> to vector<128x128xbf16>
      %swap3A_828 = arith.constant 0 : index
      %swap3A_829 = arith.constant 1792 : index
      %swap3A_830 = vector.load %arg8[%swap3A_828, %swap3A_829] : memref<128x2176xbf16, #tpu.memory_space<vmem>>, vector<128x128xbf16>
      tpu.vector_store %arg8[%swap3A_828, %swap3A_829], %convert_element_type3A_827 {strides = array<i32>} : memref<128x2176xbf16, #tpu.memory_space<vmem>>, vector<128x128xbf16>,
      %get3A_831 = arith.constant 15 : index
      %get3A_832 = arith.constant 0 : index
      %get3A_833 = memref.load %arg3[%get3A_831, %get3A_832] : memref<16x4xf32, #tpu.memory_space<smem>>
      %get3A_834 = arith.constant 0 : index
      %get3A_835 = arith.constant 0 : index
      %get3A_836 = arith.constant 0 : index
      %get3A_837 = vector.load %arg2[%get3A_834, %get3A_835, %get3A_836] : memref<4x128x128xf32, #tpu.memory_space<vmem>>, vector<1x128x128xf32>
      %get3A_838 = vector.shape_cast %get3A_837 : vector<1x128x128xf32> to vector<128x128xf32>
      %mul3A_839 = vector.broadcast %get3A_833 : f32 to vector<128x128xf32>
      %mul3A_840 = arith.mulf %mul3A_839, %get3A_838 : vector<128x128xf32>
      %get3A_841 = arith.constant 15 : index
      %get3A_842 = arith.constant 1 : index
      %get3A_843 = memref.load %arg3[%get3A_841, %get3A_842] : memref<16x4xf32, #tpu.memory_space<smem>>
      %get3A_844 = arith.constant 1 : index
      %get3A_845 = arith.constant 0 : index
      %get3A_846 = arith.constant 0 : index
      %get3A_847 = vector.load %arg2[%get3A_844, %get3A_845, %get3A_846] : memref<4x128x128xf32, #tpu.memory_space<vmem>>, vector<1x128x128xf32>
      %get3A_848 = vector.shape_cast %get3A_847 : vector<1x128x128xf32> to vector<128x128xf32>
      %mul3A_849 = vector.broadcast %get3A_843 : f32 to vector<128x128xf32>
      %mul3A_850 = arith.mulf %mul3A_849, %get3A_848 : vector<128x128xf32>
      %add3A_851 = arith.addf %mul3A_840, %mul3A_850 : vector<128x128xf32>
      %get3A_852 = arith.constant 15 : index
      %get3A_853 = arith.constant 2 : index
      %get3A_854 = memref.load %arg3[%get3A_852, %get3A_853] : memref<16x4xf32, #tpu.memory_space<smem>>
      %get3A_855 = arith.constant 2 : index
      %get3A_856 = arith.constant 0 : index
      %get3A_857 = arith.constant 0 : index
      %get3A_858 = vector.load %arg2[%get3A_855, %get3A_856, %get3A_857] : memref<4x128x128xf32, #tpu.memory_space<vmem>>, vector<1x128x128xf32>
      %get3A_859 = vector.shape_cast %get3A_858 : vector<1x128x128xf32> to vector<128x128xf32>
      %mul3A_860 = vector.broadcast %get3A_854 : f32 to vector<128x128xf32>
      %mul3A_861 = arith.mulf %mul3A_860, %get3A_859 : vector<128x128xf32>
      %add3A_862 = arith.addf %add3A_851, %mul3A_861 : vector<128x128xf32>
      %get3A_863 = arith.constant 15 : index
      %get3A_864 = arith.constant 3 : index
      %get3A_865 = memref.load %arg3[%get3A_863, %get3A_864] : memref<16x4xf32, #tpu.memory_space<smem>>
      %get3A_866 = arith.constant 3 : index
      %get3A_867 = arith.constant 0 : index
      %get3A_868 = arith.constant 0 : index
      %get3A_869 = vector.load %arg2[%get3A_866, %get3A_867, %get3A_868] : memref<4x128x128xf32, #tpu.memory_space<vmem>>, vector<1x128x128xf32>
      %get3A_870 = vector.shape_cast %get3A_869 : vector<1x128x128xf32> to vector<128x128xf32>
      %mul3A_871 = vector.broadcast %get3A_865 : f32 to vector<128x128xf32>
      %mul3A_872 = arith.mulf %mul3A_871, %get3A_870 : vector<128x128xf32>
      %add3A_873 = arith.addf %add3A_862, %mul3A_872 : vector<128x128xf32>
      %convert_element_type3A_874 = arith.truncf %add3A_873 : vector<128x128xf32> to vector<128x128xbf16>
      %swap3A_875 = arith.constant 0 : index
      %swap3A_876 = arith.constant 1920 : index
      %swap3A_877 = vector.load %arg8[%swap3A_875, %swap3A_876] : memref<128x2176xbf16, #tpu.memory_space<vmem>>, vector<128x128xbf16>
      tpu.vector_store %arg8[%swap3A_875, %swap3A_876], %convert_element_type3A_874 {strides = array<i32>} : memref<128x2176xbf16, #tpu.memory_space<vmem>>, vector<128x128xbf16>,
      %get3A_878 = arith.constant 0 : index
      %get3A_879 = arith.constant 0 : index
      %get3A_880 = vector.load %arg4[%get3A_878, %get3A_879] : memref<128x128xf32, #tpu.memory_space<vmem>>, vector<128x128xf32>
      %convert_element_type3A_881 = arith.truncf %get3A_880 : vector<128x128xf32> to vector<128x128xbf16>
      %swap3A_882 = arith.constant 0 : index
      %swap3A_883 = arith.constant 2048 : index
      %swap3A_884 = vector.load %arg8[%swap3A_882, %swap3A_883] : memref<128x2176xbf16, #tpu.memory_space<vmem>>, vector<128x128xbf16>
      tpu.vector_store %arg8[%swap3A_882, %swap3A_883], %convert_element_type3A_881 {strides = array<i32>} : memref<128x2176xbf16, #tpu.memory_space<vmem>>, vector<128x128xbf16>,
    } else {
    }
    %get3A = arith.constant 0 : index
    %get3A_2 = arith.constant 0 : index
    %get3A_3 = vector.load %arg1[%get3A, %get3A_2] : memref<400x128xf32, #tpu.memory_space<vmem>>, vector<400x128xf32>
    %convert_element_type3A_4 = arith.truncf %get3A_3 : vector<400x128xf32> to vector<400x128xbf16>
    %get3A_5 = arith.constant 0 : index
    %get3A_6 = arith.constant 0 : index
    %get3A_7 = vector.load %arg8[%get3A_5, %get3A_6] : memref<128x2176xbf16, #tpu.memory_space<vmem>>, vector<128x2176xbf16>
    %dot_general3A = arith.constant dense<0.000000e+00> : vector<400x2176xf32>
    %dot_general3A_8 = tpu.matmul %convert_element_type3A_4, %get3A_7, %dot_general3A {dimension_numbers = #tpu.dot_dimension_numbers<[1], [0], [0], [1], [0, 0, 1, 1], [], []>, transpose_lhs_hint = false} : vector<400x128xbf16>, vector<128x2176xbf16>, vector<400x2176xf32> -> vector<400x2176xf32>
    %slice3A = vector.extract_strided_slice %dot_general3A_8 {offsets = [0, 0], sizes = [400, 128], strides = [1, 1]} : vector<400x2176xf32> to vector<400x128xf32>
    %swap3A = arith.constant 0 : index
    %swap3A_9 = arith.constant 0 : index
    %swap3A_10 = arith.constant 0 : index
    %swap3A_11 = vector.load %arg6[%swap3A, %swap3A_9, %swap3A_10] : memref<16x400x128xf32, #tpu.memory_space<vmem>>, vector<1x400x128xf32>
    %swap3A_12 = vector.shape_cast %swap3A_11 : vector<1x400x128xf32> to vector<400x128xf32>
    %swap3A_13 = vector.shape_cast %slice3A : vector<400x128xf32> to vector<1x400x128xf32>
    tpu.vector_store %arg6[%swap3A, %swap3A_9, %swap3A_10], %swap3A_13 {strides = array<i32>} : memref<16x400x128xf32, #tpu.memory_space<vmem>>, vector<1x400x128xf32>,
    %slice3A_14 = vector.extract_strided_slice %dot_general3A_8 {offsets = [0, 128], sizes = [400, 128], strides = [1, 1]} : vector<400x2176xf32> to vector<400x128xf32>
    %swap3A_15 = arith.constant 1 : index
    %swap3A_16 = arith.constant 0 : index
    %swap3A_17 = arith.constant 0 : index
    %swap3A_18 = vector.load %arg6[%swap3A_15, %swap3A_16, %swap3A_17] : memref<16x400x128xf32, #tpu.memory_space<vmem>>, vector<1x400x128xf32>
    %swap3A_19 = vector.shape_cast %swap3A_18 : vector<1x400x128xf32> to vector<400x128xf32>
    %swap3A_20 = vector.shape_cast %slice3A_14 : vector<400x128xf32> to vector<1x400x128xf32>
    tpu.vector_store %arg6[%swap3A_15, %swap3A_16, %swap3A_17], %swap3A_20 {strides = array<i32>} : memref<16x400x128xf32, #tpu.memory_space<vmem>>, vector<1x400x128xf32>,
    %slice3A_21 = vector.extract_strided_slice %dot_general3A_8 {offsets = [0, 256], sizes = [400, 128], strides = [1, 1]} : vector<400x2176xf32> to vector<400x128xf32>
    %swap3A_22 = arith.constant 2 : index
    %swap3A_23 = arith.constant 0 : index
    %swap3A_24 = arith.constant 0 : index
    %swap3A_25 = vector.load %arg6[%swap3A_22, %swap3A_23, %swap3A_24] : memref<16x400x128xf32, #tpu.memory_space<vmem>>, vector<1x400x128xf32>
    %swap3A_26 = vector.shape_cast %swap3A_25 : vector<1x400x128xf32> to vector<400x128xf32>
    %swap3A_27 = vector.shape_cast %slice3A_21 : vector<400x128xf32> to vector<1x400x128xf32>
    tpu.vector_store %arg6[%swap3A_22, %swap3A_23, %swap3A_24], %swap3A_27 {strides = array<i32>} : memref<16x400x128xf32, #tpu.memory_space<vmem>>, vector<1x400x128xf32>,
    %slice3A_28 = vector.extract_strided_slice %dot_general3A_8 {offsets = [0, 384], sizes = [400, 128], strides = [1, 1]} : vector<400x2176xf32> to vector<400x128xf32>
    %swap3A_29 = arith.constant 3 : index
    %swap3A_30 = arith.constant 0 : index
    %swap3A_31 = arith.constant 0 : index
    %swap3A_32 = vector.load %arg6[%swap3A_29, %swap3A_30, %swap3A_31] : memref<16x400x128xf32, #tpu.memory_space<vmem>>, vector<1x400x128xf32>
    %swap3A_33 = vector.shape_cast %swap3A_32 : vector<1x400x128xf32> to vector<400x128xf32>
    %swap3A_34 = vector.shape_cast %slice3A_28 : vector<400x128xf32> to vector<1x400x128xf32>
    tpu.vector_store %arg6[%swap3A_29, %swap3A_30, %swap3A_31], %swap3A_34 {strides = array<i32>} : memref<16x400x128xf32, #tpu.memory_space<vmem>>, vector<1x400x128xf32>,
    %slice3A_35 = vector.extract_strided_slice %dot_general3A_8 {offsets = [0, 512], sizes = [400, 128], strides = [1, 1]} : vector<400x2176xf32> to vector<400x128xf32>
    %swap3A_36 = arith.constant 4 : index
    %swap3A_37 = arith.constant 0 : index
    %swap3A_38 = arith.constant 0 : index
    %swap3A_39 = vector.load %arg6[%swap3A_36, %swap3A_37, %swap3A_38] : memref<16x400x128xf32, #tpu.memory_space<vmem>>, vector<1x400x128xf32>
    %swap3A_40 = vector.shape_cast %swap3A_39 : vector<1x400x128xf32> to vector<400x128xf32>
    %swap3A_41 = vector.shape_cast %slice3A_35 : vector<400x128xf32> to vector<1x400x128xf32>
    tpu.vector_store %arg6[%swap3A_36, %swap3A_37, %swap3A_38], %swap3A_41 {strides = array<i32>} : memref<16x400x128xf32, #tpu.memory_space<vmem>>, vector<1x400x128xf32>,
    %slice3A_42 = vector.extract_strided_slice %dot_general3A_8 {offsets = [0, 640], sizes = [400, 128], strides = [1, 1]} : vector<400x2176xf32> to vector<400x128xf32>
    %swap3A_43 = arith.constant 5 : index
    %swap3A_44 = arith.constant 0 : index
    %swap3A_45 = arith.constant 0 : index
    %swap3A_46 = vector.load %arg6[%swap3A_43, %swap3A_44, %swap3A_45] : memref<16x400x128xf32, #tpu.memory_space<vmem>>, vector<1x400x128xf32>
    %swap3A_47 = vector.shape_cast %swap3A_46 : vector<1x400x128xf32> to vector<400x128xf32>
    %swap3A_48 = vector.shape_cast %slice3A_42 : vector<400x128xf32> to vector<1x400x128xf32>
    tpu.vector_store %arg6[%swap3A_43, %swap3A_44, %swap3A_45], %swap3A_48 {strides = array<i32>} : memref<16x400x128xf32, #tpu.memory_space<vmem>>, vector<1x400x128xf32>,
    %slice3A_49 = vector.extract_strided_slice %dot_general3A_8 {offsets = [0, 768], sizes = [400, 128], strides = [1, 1]} : vector<400x2176xf32> to vector<400x128xf32>
    %swap3A_50 = arith.constant 6 : index
    %swap3A_51 = arith.constant 0 : index
    %swap3A_52 = arith.constant 0 : index
    %swap3A_53 = vector.load %arg6[%swap3A_50, %swap3A_51, %swap3A_52] : memref<16x400x128xf32, #tpu.memory_space<vmem>>, vector<1x400x128xf32>
    %swap3A_54 = vector.shape_cast %swap3A_53 : vector<1x400x128xf32> to vector<400x128xf32>
    %swap3A_55 = vector.shape_cast %slice3A_49 : vector<400x128xf32> to vector<1x400x128xf32>
    tpu.vector_store %arg6[%swap3A_50, %swap3A_51, %swap3A_52], %swap3A_55 {strides = array<i32>} : memref<16x400x128xf32, #tpu.memory_space<vmem>>, vector<1x400x128xf32>,
    %slice3A_56 = vector.extract_strided_slice %dot_general3A_8 {offsets = [0, 896], sizes = [400, 128], strides = [1, 1]} : vector<400x2176xf32> to vector<400x128xf32>
    %swap3A_57 = arith.constant 7 : index
    %swap3A_58 = arith.constant 0 : index
    %swap3A_59 = arith.constant 0 : index
    %swap3A_60 = vector.load %arg6[%swap3A_57, %swap3A_58, %swap3A_59] : memref<16x400x128xf32, #tpu.memory_space<vmem>>, vector<1x400x128xf32>
    %swap3A_61 = vector.shape_cast %swap3A_60 : vector<1x400x128xf32> to vector<400x128xf32>
    %swap3A_62 = vector.shape_cast %slice3A_56 : vector<400x128xf32> to vector<1x400x128xf32>
    tpu.vector_store %arg6[%swap3A_57, %swap3A_58, %swap3A_59], %swap3A_62 {strides = array<i32>} : memref<16x400x128xf32, #tpu.memory_space<vmem>>, vector<1x400x128xf32>,
    %slice3A_63 = vector.extract_strided_slice %dot_general3A_8 {offsets = [0, 1024], sizes = [400, 128], strides = [1, 1]} : vector<400x2176xf32> to vector<400x128xf32>
    %swap3A_64 = arith.constant 8 : index
    %swap3A_65 = arith.constant 0 : index
    %swap3A_66 = arith.constant 0 : index
    %swap3A_67 = vector.load %arg6[%swap3A_64, %swap3A_65, %swap3A_66] : memref<16x400x128xf32, #tpu.memory_space<vmem>>, vector<1x400x128xf32>
    %swap3A_68 = vector.shape_cast %swap3A_67 : vector<1x400x128xf32> to vector<400x128xf32>
    %swap3A_69 = vector.shape_cast %slice3A_63 : vector<400x128xf32> to vector<1x400x128xf32>
    tpu.vector_store %arg6[%swap3A_64, %swap3A_65, %swap3A_66], %swap3A_69 {strides = array<i32>} : memref<16x400x128xf32, #tpu.memory_space<vmem>>, vector<1x400x128xf32>,
    %slice3A_70 = vector.extract_strided_slice %dot_general3A_8 {offsets = [0, 1152], sizes = [400, 128], strides = [1, 1]} : vector<400x2176xf32> to vector<400x128xf32>
    %swap3A_71 = arith.constant 9 : index
    %swap3A_72 = arith.constant 0 : index
    %swap3A_73 = arith.constant 0 : index
    %swap3A_74 = vector.load %arg6[%swap3A_71, %swap3A_72, %swap3A_73] : memref<16x400x128xf32, #tpu.memory_space<vmem>>, vector<1x400x128xf32>
    %swap3A_75 = vector.shape_cast %swap3A_74 : vector<1x400x128xf32> to vector<400x128xf32>
    %swap3A_76 = vector.shape_cast %slice3A_70 : vector<400x128xf32> to vector<1x400x128xf32>
    tpu.vector_store %arg6[%swap3A_71, %swap3A_72, %swap3A_73], %swap3A_76 {strides = array<i32>} : memref<16x400x128xf32, #tpu.memory_space<vmem>>, vector<1x400x128xf32>,
    %slice3A_77 = vector.extract_strided_slice %dot_general3A_8 {offsets = [0, 1280], sizes = [400, 128], strides = [1, 1]} : vector<400x2176xf32> to vector<400x128xf32>
    %swap3A_78 = arith.constant 10 : index
    %swap3A_79 = arith.constant 0 : index
    %swap3A_80 = arith.constant 0 : index
    %swap3A_81 = vector.load %arg6[%swap3A_78, %swap3A_79, %swap3A_80] : memref<16x400x128xf32, #tpu.memory_space<vmem>>, vector<1x400x128xf32>
    %swap3A_82 = vector.shape_cast %swap3A_81 : vector<1x400x128xf32> to vector<400x128xf32>
    %swap3A_83 = vector.shape_cast %slice3A_77 : vector<400x128xf32> to vector<1x400x128xf32>
    tpu.vector_store %arg6[%swap3A_78, %swap3A_79, %swap3A_80], %swap3A_83 {strides = array<i32>} : memref<16x400x128xf32, #tpu.memory_space<vmem>>, vector<1x400x128xf32>,
    %slice3A_84 = vector.extract_strided_slice %dot_general3A_8 {offsets = [0, 1408], sizes = [400, 128], strides = [1, 1]} : vector<400x2176xf32> to vector<400x128xf32>
    %swap3A_85 = arith.constant 11 : index
    %swap3A_86 = arith.constant 0 : index
    %swap3A_87 = arith.constant 0 : index
    %swap3A_88 = vector.load %arg6[%swap3A_85, %swap3A_86, %swap3A_87] : memref<16x400x128xf32, #tpu.memory_space<vmem>>, vector<1x400x128xf32>
    %swap3A_89 = vector.shape_cast %swap3A_88 : vector<1x400x128xf32> to vector<400x128xf32>
    %swap3A_90 = vector.shape_cast %slice3A_84 : vector<400x128xf32> to vector<1x400x128xf32>
    tpu.vector_store %arg6[%swap3A_85, %swap3A_86, %swap3A_87], %swap3A_90 {strides = array<i32>} : memref<16x400x128xf32, #tpu.memory_space<vmem>>, vector<1x400x128xf32>,
    %slice3A_91 = vector.extract_strided_slice %dot_general3A_8 {offsets = [0, 1536], sizes = [400, 128], strides = [1, 1]} : vector<400x2176xf32> to vector<400x128xf32>
    %swap3A_92 = arith.constant 12 : index
    %swap3A_93 = arith.constant 0 : index
    %swap3A_94 = arith.constant 0 : index
    %swap3A_95 = vector.load %arg6[%swap3A_92, %swap3A_93, %swap3A_94] : memref<16x400x128xf32, #tpu.memory_space<vmem>>, vector<1x400x128xf32>
    %swap3A_96 = vector.shape_cast %swap3A_95 : vector<1x400x128xf32> to vector<400x128xf32>
    %swap3A_97 = vector.shape_cast %slice3A_91 : vector<400x128xf32> to vector<1x400x128xf32>
    tpu.vector_store %arg6[%swap3A_92, %swap3A_93, %swap3A_94], %swap3A_97 {strides = array<i32>} : memref<16x400x128xf32, #tpu.memory_space<vmem>>, vector<1x400x128xf32>,
    %slice3A_98 = vector.extract_strided_slice %dot_general3A_8 {offsets = [0, 1664], sizes = [400, 128], strides = [1, 1]} : vector<400x2176xf32> to vector<400x128xf32>
    %swap3A_99 = arith.constant 13 : index
    %swap3A_100 = arith.constant 0 : index
    %swap3A_101 = arith.constant 0 : index
    %swap3A_102 = vector.load %arg6[%swap3A_99, %swap3A_100, %swap3A_101] : memref<16x400x128xf32, #tpu.memory_space<vmem>>, vector<1x400x128xf32>
    %swap3A_103 = vector.shape_cast %swap3A_102 : vector<1x400x128xf32> to vector<400x128xf32>
    %swap3A_104 = vector.shape_cast %slice3A_98 : vector<400x128xf32> to vector<1x400x128xf32>
    tpu.vector_store %arg6[%swap3A_99, %swap3A_100, %swap3A_101], %swap3A_104 {strides = array<i32>} : memref<16x400x128xf32, #tpu.memory_space<vmem>>, vector<1x400x128xf32>,
    %slice3A_105 = vector.extract_strided_slice %dot_general3A_8 {offsets = [0, 1792], sizes = [400, 128], strides = [1, 1]} : vector<400x2176xf32> to vector<400x128xf32>
    %swap3A_106 = arith.constant 14 : index
    %swap3A_107 = arith.constant 0 : index
    %swap3A_108 = arith.constant 0 : index
    %swap3A_109 = vector.load %arg6[%swap3A_106, %swap3A_107, %swap3A_108] : memref<16x400x128xf32, #tpu.memory_space<vmem>>, vector<1x400x128xf32>
    %swap3A_110 = vector.shape_cast %swap3A_109 : vector<1x400x128xf32> to vector<400x128xf32>
    %swap3A_111 = vector.shape_cast %slice3A_105 : vector<400x128xf32> to vector<1x400x128xf32>
    tpu.vector_store %arg6[%swap3A_106, %swap3A_107, %swap3A_108], %swap3A_111 {strides = array<i32>} : memref<16x400x128xf32, #tpu.memory_space<vmem>>, vector<1x400x128xf32>,
    %slice3A_112 = vector.extract_strided_slice %dot_general3A_8 {offsets = [0, 1920], sizes = [400, 128], strides = [1, 1]} : vector<400x2176xf32> to vector<400x128xf32>
    %swap3A_113 = arith.constant 15 : index
    %swap3A_114 = arith.constant 0 : index
    %swap3A_115 = arith.constant 0 : index
    %swap3A_116 = vector.load %arg6[%swap3A_113, %swap3A_114, %swap3A_115] : memref<16x400x128xf32, #tpu.memory_space<vmem>>, vector<1x400x128xf32>
    %swap3A_117 = vector.shape_cast %swap3A_116 : vector<1x400x128xf32> to vector<400x128xf32>
    %swap3A_118 = vector.shape_cast %slice3A_112 : vector<400x128xf32> to vector<1x400x128xf32>
    tpu.vector_store %arg6[%swap3A_113, %swap3A_114, %swap3A_115], %swap3A_118 {strides = array<i32>} : memref<16x400x128xf32, #tpu.memory_space<vmem>>, vector<1x400x128xf32>,
    %slice3A_119 = vector.extract_strided_slice %dot_general3A_8 {offsets = [0, 2048], sizes = [400, 128], strides = [1, 1]} : vector<400x2176xf32> to vector<400x128xf32>
    %get3A_120 = arith.constant 0 : index
    %get3A_121 = arith.constant 0 : index
    %get3A_122 = vector.load %arg5[%get3A_120, %get3A_121] : memref<1x128xf32, #tpu.memory_space<vmem>>, vector<1x128xf32>
    %add3A = vector.broadcast %get3A_122 : vector<1x128xf32> to vector<400x128xf32>
    %add3A_123 = arith.addf %slice3A_119, %add3A : vector<400x128xf32>
    %swap3A_124 = arith.constant 0 : index
    %swap3A_125 = arith.constant 0 : index
    %swap3A_126 = vector.load %arg7[%swap3A_124, %swap3A_125] : memref<400x128xf32, #tpu.memory_space<vmem>>, vector<400x128xf32>
    tpu.vector_store %arg7[%swap3A_124, %swap3A_125], %add3A_123 {strides = array<i32>} : memref<400x128xf32, #tpu.memory_space<vmem>>, vector<400x128xf32>,
    return
  }
  func.func @transform_0(%arg0: i32) -> (i32, i32) {
    %c0_i32 = arith.constant 0 : i32
    %c0_i32_0 = arith.constant 0 : i32
    return %arg0, %c0_i32 : i32, i32
  }
  func.func @transform_1(%arg0: i32) -> (i32, i32, i32) {
    %c0_i32 = arith.constant 0 : i32
    %c0_i32_0 = arith.constant 0 : i32
    %c0_i32_1 = arith.constant 0 : i32
    %c0_i32_2 = arith.constant 0 : i32
    return %c0_i32, %c0_i32_0, %c0_i32_1 : i32, i32, i32
  }
  func.func @transform_2(%arg0: i32) -> (i32, i32) {
    %c0_i32 = arith.constant 0 : i32
    %c0_i32_0 = arith.constant 0 : i32
    %c0_i32_1 = arith.constant 0 : i32
    return %c0_i32, %c0_i32_0 : i32, i32
  }
  func.func @transform_3(%arg0: i32) -> (i32, i32) {
    %c0_i32 = arith.constant 0 : i32
    %c0_i32_0 = arith.constant 0 : i32
    %c0_i32_1 = arith.constant 0 : i32
    return %c0_i32, %c0_i32_0 : i32, i32
  }
  func.func @transform_4(%arg0: i32) -> (i32, i32) {
    %c0_i32 = arith.constant 0 : i32
    %c0_i32_0 = arith.constant 0 : i32
    %c0_i32_1 = arith.constant 0 : i32
    return %c0_i32, %c0_i32_0 : i32, i32
  }
  func.func @transform_5(%arg0: i32) -> (i32, i32, i32) {
    %c0_i32 = arith.constant 0 : i32
    %c0_i32_0 = arith.constant 0 : i32
    %c0_i32_1 = arith.constant 0 : i32
    return %c0_i32, %arg0, %c0_i32_0 : i32, i32, i32
  }
  func.func @transform_6(%arg0: i32) -> (i32, i32) {
    %c0_i32 = arith.constant 0 : i32
    %c0_i32_0 = arith.constant 0 : i32
    return %arg0, %c0_i32 : i32, i32
  }
}

</mosaic_0001>

<sc_bundles>
// kernel: kernel.5.cloned.1.call-start
scs
__scs_entry_jumppad:
0x0: {  	(pc) =	sbr.rel $0x88, $3  }
0x1: {  	(tag) =	ssettag $0x0;
	lr =	simm.s32 $0x1  }
0x2: {  	[smem:$0x3F9A] =	sst lr;
	_ =	strace $0xD0000000  }
0x3: {  	_ = 	snop  }
0x4: {  	_ = 	snop  }
0x5: {  	_ = 	snop  }
0x6: {  	_ = 	snop  }
0x7: {  	_ = 	snop  }
__scs_overlays_trampoline_lowered:
0x8: {  	[smem:$0x3FA9] =	sst s0  }
0x9: {  	[smem:$0x3FAA] =	sst s1  }
0xa: {  	[smem:$0x3FAB] =	sst s2  }
0xb: {  	[smem:$0x3FAC] =	sst s3  }
0xc: {  	[smem:$0x3FAD] =	sst s4  }
0xd: {  	[smem:$0x3FAE] =	sst s5  }
0xe: {  	[smem:$0x3FAF] =	sst s6  }
0xf: {  	[smem:$0x3FB0] =	sst s7  }
0x10: {  	[smem:$0x3FB1] =	sst s8  }
0x11: {  	[smem:$0x3FB2] =	sst s9;
	s0 =	simm.s32 @!p0 $0x0  }
0x12: {  	s1 =	sld [smem:$0x3F98];
	s0 =	simm.s32 @p0 $0x1  }
0x13: {  	[smem:$0x3FB3] =	sst s0;
	s0 =	simm.s32 @!p1 $0x0  }
0x14: {  	s2 =	sld [smem:$0x3F97];
	s0 =	simm.s32 @p1 $0x1  }
0x15: {  	[smem:$0x3FB4] =	sst s0;
	s0 =	simm.s32 @!p2 $0x0  }
0x16: {  	s3 =	sld [smem:$0x3FDB];
	s0 =	simm.s32 @p2 $0x1  }
0x17: {  	s4 =	simm.s32 $0x1BF5;
	[smem:$0x3FB6] =	sst s0  }
0x18: {  	s0 =	sld [smem:$0x3F99];
	_ =	swait.ge [sflag:s4], $0x0  }
0x19: {  	s7 =	sld [smem:$0x3F9A]  }
0x1a: {  	s8 =	sadd.s32 $0xFFFFE003, lr  }
0x1b: {  	s9 =	sadd.s32 $0xFFFFFEF7, lr;
	s5 =	simm.s32 $0xFFFFFFFF;
	p2 =	slt.u32 s8, $0xFFFFF086  }
0x1c: {  	p1 =	slt.u32 s9, $0xF7A;
	s5 =	simm.s32 @!p2 $0x0  }
0x1d: {  	s5 =	simm.s32 @p1 $0x1;
	p0 =	seq.s32 s7, s2  }
0x1e: {  	s7 =	smul.u32 @!p0 $0xF7A, s2;
	p2 =	seq.s32 @!p0 s5, $0x0  }
0x1f: {  	s9 =	smul.u32 $0xF7A, s1;
	s8 =	simm.s32 @!p0 $0x1BF5;
	p2 =	por !p2, p0  }
0x20: {  	[sflag:s8] =	ssyncset.s32 @!p0 $0xFFFFF086;
	s6 =	sadd.s32 @!p0 s3, s7;
	s7 =	simm.s32 @!p0 $0x108  }
0x21: {  	s3 =	sadd.s32 s3, s9;
	s6 =	sadd.s32 @!p0 $0x88, s6;
	s7 =	simm.s32 @p2 $0x1082  }
0x22: {  	[simem:s7], [sflag:s8] =	dma.local @!p0 [hbm:s6], $0xF7A  }
0x23: {  	s9 =	sor.u32 $0xD0000000, s2;
	s6 =	simm.s32 $0x108;
	_ =	swait.ge @!p0 [sflag:s8], $0x0  }
0x24: {  	s3 =	sadd.s32 $0x88, s3;
	s6 =	simm.s32 @!p1 $0x1082;
	[sflag:s4] =	ssyncset.s32 $0xFFFFF086  }
0x25: {  	[simem:s6], [sflag:s4] =	dma.local [hbm:s3], $0xF7A  }
0x26: {  	[smem:$0x3F9A] =	sst s1;
	(tag) =	ssettag s2;
	_ =	strace s9  }
0x27: {  	s1 =	sld [smem:$0x3FAA]  }
0x28: {  	s2 =	sld [smem:$0x3FAB]  }
0x29: {  	s4 =	sld [smem:$0x3FAD]  }
0x2a: {  	p0 =	seq.s32 s5, $0x0;
	s5 =	sld [smem:$0x3FAE]  }
0x2b: {  	s6 =	sld [smem:$0x3FAF]  }
0x2c: {  	s7 =	sld [smem:$0x3FB0]  }
0x2d: {  	s3 =	simm.s32 $0x108;
	s8 =	sld [smem:$0x3FB1]  }
0x2e: {  	s3 =	simm.s32 @!p0 $0x1082;
	s9 =	sld [smem:$0x3FB2]  }
0x2f: {  	lr =	sadd.s32 s0, s3;
	s0 =	sld [smem:$0x3FA9]  }
0x30: {  	s3 =	sld [smem:$0x3FAC]  }
0x31: {  	[smem:$0x3FB5] =	sst s10  }
0x32: {  	s10 =	sld [smem:$0x3FB3];
	_ =	sdelay $0x3  }
0x33: {  	p0 =	seq.s32 s10, $0x1;
	s10 =	sld [smem:$0x3FB5];
	_ =	sdelay $0x3  }
0x34: {  	[smem:$0x3FB5] =	sst s10  }
0x35: {  	s10 =	sld [smem:$0x3FB4];
	_ =	sdelay $0x3  }
0x36: {  	p1 =	seq.s32 s10, $0x1;
	s10 =	sld [smem:$0x3FB5];
	_ =	sdelay $0x3  }
0x37: {  	[smem:$0x3FB5] =	sst s10  }
0x38: {  	s10 =	sld [smem:$0x3FB6]  }
0x39: {  	_ = 	snop;
	(pc) =	sbr.ind lr, $3  }
0x3a: {  	_ = 	snop  }
0x3b: {  	_ = 	snop  }
0x3c: {  	p2 =	seq.s32 s10, $0x1;
	s10 =	sld [smem:$0x3FB5]  }
0x3d: {  	_ =	shalt  }
0x3e: {  	_ =	shalt  }
0x3f: {  	_ =	shalt  }
0x40: {  	_ =	shalt  }
0x41: {  	_ =	shalt  }
0x42: {  	_ =	shalt  }
0x43: {  	_ =	shalt  }
0x44: {  	_ =	shalt  }
0x45: {  	_ =	shalt  }
0x46: {  	_ =	shalt  }
0x47: {  	_ =	shalt  }
0x48: {  	_ =	shalt  }
0x49: {  	_ =	shalt  }
0x4a: {  	_ =	shalt  }
0x4b: {  	_ =	shalt  }
0x4c: {  	_ =	shalt  }
0x4d: {  	_ =	shalt  }
0x4e: {  	_ =	shalt  }
0x4f: {  	_ =	shalt  }
0x50: {  	_ =	shalt  }
0x51: {  	_ =	shalt  }
0x52: {  	_ =	shalt  }
0x53: {  	_ =	shalt  }
0x54: {  	_ =	shalt  }
0x55: {  	_ =	shalt  }
0x56: {  	_ =	shalt  }
0x57: {  	_ =	shalt  }
0x58: {  	_ =	shalt  }
0x59: {  	_ =	shalt  }
0x5a: {  	_ =	shalt  }
0x5b: {  	_ =	shalt  }
0x5c: {  	_ =	shalt  }
0x5d: {  	_ =	shalt  }
0x5e: {  	_ =	shalt  }
0x5f: {  	_ =	shalt  }
0x60: {  	_ =	shalt  }
0x61: {  	_ =	shalt  }
0x62: {  	_ =	shalt  }
0x63: {  	_ =	shalt  }
0x64: {  	_ =	shalt  }
0x65: {  	_ =	shalt  }
0x66: {  	_ =	shalt  }
0x67: {  	_ =	shalt  }
0x68: {  	_ =	shalt  }
0x69: {  	_ =	shalt  }
0x6a: {  	_ =	shalt  }
0x6b: {  	_ =	shalt  }
0x6c: {  	_ =	shalt  }
0x6d: {  	_ =	shalt  }
0x6e: {  	_ =	shalt  }
0x6f: {  	_ =	shalt  }
0x70: {  	_ =	shalt  }
0x71: {  	_ =	shalt  }
0x72: {  	_ =	shalt  }
0x73: {  	_ =	shalt  }
0x74: {  	_ =	shalt  }
0x75: {  	_ =	shalt  }
0x76: {  	_ =	shalt  }
0x77: {  	_ =	shalt  }
0x78: {  	_ =	shalt  }
0x79: {  	_ =	shalt  }
0x7a: {  	_ =	shalt  }
0x7b: {  	_ =	shalt  }
0x7c: {  	_ =	shalt  }
0x7d: {  	_ =	shalt  }
0x7e: {  	_ =	shalt  }
0x7f: {  	_ =	shalt  }
0x80: {  	_ =	shalt  }
0x81: {  	_ =	shalt  }
0x82: {  	_ =	shalt  }
0x83: {  	_ =	shalt  }
0x84: {  	_ =	shalt  }
0x85: {  	_ =	shalt  }
0x86: {  	_ =	shalt  }
0x87: {  	_ =	shalt  }
.Lfunc_end0:
.L_simem_size_0:
called_computation_lowered:
.L_overlay_start_0:
0x88: {  	s2 =	sld [smem:$0x3FD9]  }
0x89: {  	s3 =	sld [smem:$0x3FFE];
	_ =	sdelay $0x1  }
0x8a: {  	s1 =	srdreg.scid  }
0x8b: {  	s0 =	sand.u32 $0x1, s1  }
0x8c: {  	s17 =	sshll.u32 s0, $0xA;
	s2 =	sadd.s32 s3, s2  }
0x8d: {  	s2 =	sadd.s32 s2, s17  }
0x8e: {  	[smem:$0x3FC1] =	sst s2  }
0x8f: {  	_ = 	snop  }
0x90: {  	s2 =	sld [smem:$0x3FD0];
	(tm) =	ssettm $0x1  }
0x91: {  	s18 =	sld [smem:$0x3FFB];
	_ =	sdelay $0x3  }
0x92: {  	_ =	strace s18  }
0x93: {  	s3 =	sld [smem:$0x3FFC];
	_ =	sdelay $0x3  }
0x94: {  	_ =	strace s3  }
0x95: {  	s3 =	sld [smem:$0x3FFD];
	_ =	sdelay $0x3  }
0x96: {  	_ =	strace s3  }
0x97: {  	_ =	strace $0x8FFFFFFF  }
0x98: {  	s19 =	sld [smem:$0x3FDB];
	_ =	sdelay $0x1  }
0x99: {  	s4 =	simm.s32 $_scs_section_size  }
0x9a: {  	s5 =	simm.s32 $_size__tile_overlayer_lowered;
	s6 =	simm.s32 $_tile_overlayer_lowered  }
0x9b: {  	s22 =	simm.s32 $0x1BFF;
	s21 =	sshll.u32 s6, $0x1;
	s3 =	sadd.s32 s4, s19  }
0x9c: {  	s7 =	simm.s32 $0x0;
	s20 =	sshll.u32 s5, $0x1;
	s5 =	sadd.s32 s21, s3  }
0x9d: {  	[timem:s7], [sflag:s22] =	dma.local [hbm:s5], s20  }
0x9e: {  	_ =	swait.ge [sflag:s22], s20  }
0x9f: {  	s4 =	ssub.s32 $0x0, s20;
	[sflag:s22] =	ssyncset.done $0x0  }
0xa0: {  	[sflag:s22] =	ssyncadd.s32 s4;
	_ =	sdelay $0x1  }
0xa1: {  	s23 =	simm.s32 $0x1B8B  }
0xa2: {  	_ =	swait.ge [sflag:s23], $0x1  }
0xa3: {  	[sflag:s23] =	ssyncset.done $0x0  }
0xa4: {  	s25 =	simm.s32 $0x1B8E;
	s24 =	sld [smem:$0x3FFE];
	[sflag:s23] =	ssyncadd.s32 $0xFFFFFFFF  }
0xa5: {  	s26 =	simm.s32 $execute0_lowered;
	[smem:$0x3FD2] =	sst s25  }
0xa6: {  	s5 =	sshll.u32 s26, $0x1;
	_ =	strace $0x80000046;
	[dreg:$0x1] =	wrdreg $0xFFFFFFFF  }
0xa7: {  	s28 =	simm.s32 $_size_execute0_lowered;
	s3 =	sadd.s32 s3, s5;
	[dreg:$0x0] =	wrdreg $0x0  }
0xa8: {  	s5 =	sshll.u32 s28, $0x1;
	[dreg:$0x2] =	wrdreg s3  }
0xa9: {  	[dreg:$0x3] =	wrdreg s5  }
0xaa: {  	[dreg:$0x4] =	wrdreg $0xC0  }
0xab: {  	_ =	task [dreg:s7], $0x5FFFF  }
0xac: {  	[dreg:$0x1] =	wrdreg $0xFFFFFFFF  }
0xad: {  	[dreg:$0x0] =	wrdreg $0x60  }
0xae: {  	[dreg:$0x2] =	wrdreg s24  }
0xaf: {  	[dreg:$0x3] =	wrdreg s2  }
0xb0: {  	[dreg:$0x4] =	wrdreg $0xA8000  }
0xb1: {  	[dreg:$0x5] =	wrdreg $0x9  }
0xb2: {  	_ =	task.clear_ibuf [dreg:s7], $0x6FFFF;
	_ =	strace $0x90000046  }
0xb3: {  	s29 =	simm.s32 $0x9;
	_ =	strace $0x80000048  }
0xb4: {  	_ =	swait.ge [sflag:s29], $0x1  }
0xb5: {  	[sflag:s29] =	ssyncadd.s32 $0xFFFFFFFF  }
0xb6: {  	_ =	strace $0x90000048  }
0xb7: {  	_ =	sfence  }
0xb8: {  	s30 =	sld [smem:$0x0];
	_ =	sdelay $0x2  }
0xb9: {  	s31 =	sshll.u32 s1, $0xD;
	s1 =	sshrl.u32 s1, $0x2  }
0xba: {  	s3 =	sand.u32 $0x4000, s31;
	s1 =	sadd.s32 s1, s30  }
0xbb: {  	s0 =	sor.u32 s3, s0;
	s1 =	sshll.u32 s1, $0x11  }
0xbc: {  	s0 =	sor.u32 s1, s0  }
0xbd: {  	s0 =	sadd.s32 $0x8F2B, s0  }
0xbe: {  	[sflag:s0] =	ssyncadd.remote.s32 $0x1  }
0xbf: {  	_ =	sfence.sel $0xFFFF  }
0xc0: {  	[dreg:$0x0] =	wrdreg $0xFFFFFFFF;
	(pc) =	sbr.abs _section_cstart, $3  }
0xc1: {  	[dreg:$0x1] =	wrdreg $0xFFFFFFFF  }
0xc2: {  	_ =	task.clear_ibuf [dreg:s7], $0x2FFFF;
	_ =	strace $0x9FFFFFFF  }
0xc3: {  	(tm) =	ssettm $0x7FFFFFFF  }
tec
execute0_lowered:
.L_overlay_start_1:
0x0: {  	(tag) =	ssettag $0x1  }
0x1: {  	s0 =	rddreg [dreg:$0x0]  }
0x2: {  	s2 =	rddreg [dreg:$0x2];
	s19 =	simm.s32 $0x0;
	s1 =	srdreg.scid  }
0x3: {  	s9 =	stileid.u32;
	s17 =	simm.s32 $0x3000;
	s18 =	simm.s32 $0x7  }
0x4: {  	s28 =	simm.s32 $0x6C00;
	s30 =	simm.s32 $0x8000;
	s31 =	simm.s32 $0x128  }
0x5: {  	s10 =	simm.s32 $0x50;
	s11 =	simm.s32 $0x3;
	s12 =	simm.s32 $0x4  }
0x6: {  	s13 =	simm.s32 $0x5;
	[smem:$0x7FF] =	sst s19;
	s5 =	sadd.s32 $0x29600, s0  }
0x7: {  	s1 =	sand.u32 $0x1, s1;
	s6 =	sadd.s32 $0x1600, s0;
	s8 =	smul.u32 $0x50000, s9  }
0x8: {  	s7 =	sshll.u32 s9, $0x1;
	s3 =	smul.u32 $0x28000, s1;
	s4 =	ssub.s32 $0x2, s1  }
0x9: {  	s16 =	smul.u32 $0x2800, s9;
	s14 =	sshrl.u32 s4, $0x1;
	s15 =	sshrl.u32 s8, $0x2  }
0xa: {  	s0 =	sadd.s32 s3, s0;
	s3 =	ssub.s32 s4, s14;
	s23 =	sadd.s32 s15, s2  }
0xb: {  	_ =	strace $0x80000047;
	s3 =	smax.u32 s3, $0x1;
	[dreg:$0x5] =	wrdreg s23  }
0xc: {  	s9 =	simm.s32 $0x2;
	s20 =	sadd.s32 $0x2800, s23;
	[dreg:$0x6] =	wrdreg s3  }
0xd: {  	s1 =	sor.u32 s1, s7;
	s21 =	sadd.s32 $0x5000, s23;
	[dreg:$0x7] =	wrdreg s20  }
0xe: {  	s7 =	smul.u32 $0x5000, s1;
	s22 =	sadd.s32 $0x7800, s23;
	[dreg:$0x8] =	wrdreg s21  }
0xf: {  	s8 =	simm.s32 $0x2B00;
	s24 =	sadd.s32 $0xA000, s23;
	[dreg:$0x9] =	wrdreg s22  }
0x10: {  	s1 =	simm.s32 $0x2C00;
	s25 =	sadd.s32 $0xC800, s23;
	[dreg:$0xa] =	wrdreg s24  }
0x11: {  	s4 =	simm.s32 $0x1;
	s26 =	sadd.s32 $0xF000, s23;
	[dreg:$0xb] =	wrdreg s25  }
0x12: {  	s14 =	simm.s32 $0x6;
	s29 =	sadd.s32 $0x11800, s23;
	[dreg:$0xc] =	wrdreg s26  }
0x13: {  	s15 =	simm.s32 $0x2A80;
	s0 =	sadd.s32 $0x29A600, s0;
	[dreg:$0xd] =	wrdreg s29  }
0x14: {  	s21 =	simm.s32 $0x28;
	s22 =	simm.s32 $0x4400;
	s0 =	sadd.s32 s16, s0  }
0x15: {  	s25 =	simm.s32 $0x5800;
	s16 =	simm.s32 $0xC00;
	s24 =	simm.s32 $0xC28  }
0x16: {  	v0 =	vimm.f32 $0.0e+00;
	s3 =	simm.s32 $0x2B80;
	[dreg:$0xe] =	wrdreg s0;
	s0 =	simm.s32 $0x9400  }
.LBB2_1:
0x17: {  	[dreg:$0x4] =	wrdreg s19;
	s19 =	simm.s32 $0x0;
	s20 =	simm.s32 $0x200  }
.LBB2_2:
0x18: {  	p0 =	sne.s32 s20, $0x9E00;
	[tilespmem:s19+$0x3070] =	vst v0  }
0x19: {  	[tilespmem:s19+$0x3000] =	vst v0  }
0x1a: {  	[tilespmem:s19+$0x3010] =	vst v0  }
.Ltmp0:
0x1b: {  	[tilespmem:s19+$0x3020] =	vst v0;
	(pc) =	sbr.rel @p0 .LBB2_2-.Ltmp0, $4  }
0x1c: {  	[tilespmem:s19+$0x3030] =	vst v0  }
0x1d: {  	[tilespmem:s19+$0x3040] =	vst v0  }
0x1e: {  	[tilespmem:s19+$0x3050] =	vst v0  }
0x1f: {  	[tilespmem:s19+$0x3060] =	vst v0;
	s19 =	sshra.s32 s20, $0x2;
	s20 =	sadd.s32 $0x200, s20  }
0x20: {  	[tilespmem:s19+$0x3070] =	vst v0  }
0x21: {  	[tilespmem:s19+$0x3000] =	vst v0  }
0x22: {  	[tilespmem:s19+$0x3010] =	vst v0  }
0x23: {  	[tilespmem:s19+$0x3020] =	vst v0  }
0x24: {  	[tilespmem:s19+$0x3030] =	vst v0  }
0x25: {  	[tilespmem:s19+$0x3040] =	vst v0  }
0x26: {  	[tilespmem:s19+$0x3050] =	vst v0  }
0x27: {  	[tilespmem:s19+$0x3060] =	vst v0  }
0x28: {  	[spmem:s23] =	stream.linear.scatter [tilespmem:s17], [sflag:$0x7], $0x2800, $0x38;
	[tilespmem:$0x1E800] =	vst v63  }
0x29: {  	_ =	swait.ge [sflag:s18], $0x2800  }
0x2a: {  	[sflag:s18] =	ssyncset.done $0x0  }
0x2b: {  	s23 =	rddreg [dreg:$0x7];
	[sflag:s18] =	ssyncadd.s32 $0xFFFFD800  }
0x2c: {  	[spmem:s23] =	stream.linear.scatter [tilespmem:s17], [sflag:$0x7], $0x2800, $0x38;
	[tilespmem:$0x1E800] =	vst v63  }
0x2d: {  	_ =	swait.ge [sflag:s18], $0x2800  }
0x2e: {  	[sflag:s18] =	ssyncset.done $0x0  }
0x2f: {  	s26 =	rddreg [dreg:$0x8];
	[sflag:s18] =	ssyncadd.s32 $0xFFFFD800  }
0x30: {  	[spmem:s26] =	stream.linear.scatter [tilespmem:s17], [sflag:$0x7], $0x2800, $0x38;
	[tilespmem:$0x1E800] =	vst v63  }
0x31: {  	_ =	swait.ge [sflag:s18], $0x2800  }
0x32: {  	[sflag:s18] =	ssyncset.done $0x0  }
0x33: {  	s29 =	rddreg [dreg:$0x9];
	[sflag:s18] =	ssyncadd.s32 $0xFFFFD800  }
0x34: {  	[spmem:s29] =	stream.linear.scatter [tilespmem:s17], [sflag:$0x7], $0x2800, $0x38;
	[tilespmem:$0x1E800] =	vst v63  }
0x35: {  	_ =	swait.ge [sflag:s18], $0x2800  }
0x36: {  	[sflag:s18] =	ssyncset.done $0x0  }
0x37: {  	s20 =	rddreg [dreg:$0xa];
	[sflag:s18] =	ssyncadd.s32 $0xFFFFD800  }
0x38: {  	[spmem:s20] =	stream.linear.scatter [tilespmem:s17], [sflag:$0x7], $0x2800, $0x38;
	[tilespmem:$0x1E800] =	vst v63  }
0x39: {  	_ =	swait.ge [sflag:s18], $0x2800  }
0x3a: {  	[sflag:s18] =	ssyncset.done $0x0  }
0x3b: {  	s23 =	rddreg [dreg:$0xb];
	[sflag:s18] =	ssyncadd.s32 $0xFFFFD800  }
0x3c: {  	[spmem:s23] =	stream.linear.scatter [tilespmem:s17], [sflag:$0x7], $0x2800, $0x38;
	[tilespmem:$0x1E800] =	vst v63  }
0x3d: {  	_ =	swait.ge [sflag:s18], $0x2800  }
0x3e: {  	[sflag:s18] =	ssyncset.done $0x0  }
0x3f: {  	s26 =	rddreg [dreg:$0xc];
	[sflag:s18] =	ssyncadd.s32 $0xFFFFD800  }
0x40: {  	[spmem:s26] =	stream.linear.scatter [tilespmem:s17], [sflag:$0x7], $0x2800, $0x38;
	[tilespmem:$0x1E800] =	vst v63  }
0x41: {  	_ =	swait.ge [sflag:s18], $0x2800  }
0x42: {  	[sflag:s18] =	ssyncset.done $0x0  }
0x43: {  	s29 =	rddreg [dreg:$0xd];
	[sflag:s18] =	ssyncadd.s32 $0xFFFFD800  }
0x44: {  	[spmem:s29] =	stream.linear.scatter [tilespmem:s17], [sflag:$0x7], $0x2800, $0x38;
	[tilespmem:$0x1E800] =	vst v63  }
0x45: {  	_ =	swait.ge [sflag:s18], $0x2800  }
0x46: {  	[sflag:s18] =	ssyncset.done $0x0  }
0x47: {  	[sflag:s18] =	ssyncadd.s32 $0xFFFFD800  }
0x48: {  	s19 =	simm.s32 $0x0;
	s20 =	simm.s32 $0x0;
	[bflag:$0x0] =	sbarrier.arrive $0xFFFF  }
.LBB2_4:
0x49: {  	s23 =	sshll.u32 s20, $0xC  }
0x4a: {  	s23 =	sadd.s32 s7, s23  }
0x4b: {  	s23 =	sshrl.u32 s23, $0x3  }
0x4c: {  	s26 =	sadd.s32 s6, s23  }
0x4d: {  	[tilespmem:s19], [sflag:$0x7] =	stream.linear.gather [hbm4b:s26+s19], $0xC80, $0x38;
	[tilespmem:$0x1E800] =	vst v63  }
0x4e: {  	_ =	swait.ge [sflag:s18], $0xC80  }
0x4f: {  	[sflag:s18] =	ssyncset.done $0x0  }
0x50: {  	[sflag:s18] =	ssyncadd.s32 $0xFFFFF380  }
0x51: {  	s29 =	rddreg [dreg:$0x1]  }
0x52: {  	s23 =	sadd.s32 s29, s23;
	s29 =	simm.s32 $0x1000  }
0x53: {  	[tilespmem:s29], [sflag:$0x7] =	stream.linear.gather [hbm4b:s23+s19], $0xC80, $0x38;
	[tilespmem:$0x1E800] =	vst v63  }
0x54: {  	_ =	swait.ge [sflag:s18], $0xC80  }
0x55: {  	[sflag:s18] =	ssyncset.done $0x0  }
0x56: {  	s26 =	sadd.s32 $0x14000, s26;
	s29 =	simm.s32 $0x2000;
	[sflag:s18] =	ssyncadd.s32 $0xFFFFF380  }
0x57: {  	[tilespmem:s29], [sflag:$0x7] =	stream.linear.gather [hbm4b:s26+s19], $0xC80, $0x38;
	[tilespmem:$0x1E800] =	vst v63  }
0x58: {  	_ =	swait.ge [sflag:s18], $0xC80  }
0x59: {  	[sflag:s18] =	ssyncset.done $0x0  }
0x5a: {  	s23 =	simm.s32 $0x0;
	[sflag:s18] =	ssyncadd.s32 $0xFFFFF380  }
0x5b: {  	v5 =	vld [tilespmem:s23+$0x1000]  }
0x5c: {  	v4 =	vld [tilespmem:s23+$0x1010]  }
0x5d: {  	v3 =	vld [tilespmem:s23+$0x1020]  }
0x5e: {  	v2 =	vld [tilespmem:s23+$0x1030]  }
0x5f: {  	v1 =	vld [tilespmem:s23+$0x1040]  }
0x60: {  	v7 =	vld [tilespmem:s23+$0x0]  }
0x61: {  	s26 =	simm.s32 $0x200;
	v6 =	vld [tilespmem:s23+$0x10]  }
.LBB2_5:
0x62: {  	p0 =	sne.s32 s26, $0x3000;
	v8 =	vld [tilespmem:s23+$0x20]  }
0x63: {  	v9 =	vmul.u32 $0x2710, v5;
	v10 =	vld [tilespmem:s23+$0x30]  }
0x64: {  	s29 =	sshra.s32 s26, $0x2;
	v11 =	vmul.u32 $0x2710, v4;
	v12 =	vld [tilespmem:s23+$0x40]  }
0x65: {  	v5 =	vld [tilespmem:s29+$0x1000];
	v7 =	vadd.s32 v7, v9;
	v9 =	vmul.u32 $0x2710, v3  }
0x66: {  	v4 =	vld [tilespmem:s29+$0x1010];
	[tilespmem:s23+$0x0] =	vst v7;
	v6 =	vadd.s32 v6, v11;
	v7 =	vmul.u32 $0x2710, v2  }
.Ltmp1:
0x67: {  	v3 =	vld [tilespmem:s29+$0x1020];
	[tilespmem:s23+$0x10] =	vst v6;
	v6 =	vadd.s32 v8, v9;
	v8 =	vmul.u32 $0x2710, v1;
	(pc) =	sbr.rel @p0 .LBB2_5-.Ltmp1, $4  }
0x68: {  	v2 =	vld [tilespmem:s29+$0x1030];
	[tilespmem:s23+$0x20] =	vst v6;
	v6 =	vadd.s32 v10, v7  }
0x69: {  	v1 =	vld [tilespmem:s29+$0x1040];
	[tilespmem:s23+$0x30] =	vst v6;
	v6 =	vadd.s32 v12, v8  }
0x6a: {  	v7 =	vld [tilespmem:s29+$0x0];
	[tilespmem:s23+$0x40] =	vst v6;
	s23 =	smov.u32 s29  }
0x6b: {  	s26 =	sadd.s32 $0x200, s26;
	v6 =	vld [tilespmem:s23+$0x10]  }
0x6c: {  	v8 =	vld [tilespmem:s23+$0x20]  }
0x6d: {  	v5 =	vmul.u32 $0x2710, v5;
	v9 =	vld [tilespmem:s23+$0x30]  }
0x6e: {  	v4 =	vmul.u32 $0x2710, v4;
	v10 =	vld [tilespmem:s23+$0x40]  }
0x6f: {  	v3 =	vmul.u32 $0x2710, v3;
	v5 =	vadd.s32 v7, v5  }
0x70: {  	v2 =	vmul.u32 $0x2710, v2;
	[tilespmem:s23+$0x0] =	vst v5;
	v4 =	vadd.s32 v6, v4  }
0x71: {  	v1 =	vmul.u32 $0x2710, v1;
	[tilespmem:s23+$0x10] =	vst v4;
	v3 =	vadd.s32 v8, v3  }
0x72: {  	v2 =	vadd.s32 v9, v2;
	[tilespmem:s23+$0x20] =	vst v3  }
0x73: {  	v1 =	vadd.s32 v10, v1;
	[tilespmem:s23+$0x30] =	vst v2  }
0x74: {  	s26 =	simm.s32 $0x0;
	[tilespmem:s23+$0x40] =	vst v1  }
0x75: {  	[tilespmem:s17], [sflag:$0x1] =	stream.indirect.gather [hbm4b:s5+s21], $0x80, s26, s21, $0xb8;
	[tilespmem:$0x1E800] =	vst v63  }
0x76: {  	_ = 	snop  }
0x77: {  	[tilespmem:s22], [sflag:$0x2] =	stream.indirect.gather [hbm4b:s5+s21], $0x80, s21, s21, $0xb8;
	[tilespmem:$0x1E800] =	vst v63  }
0x78: {  	s29 =	simm.s32 $0x80  }
0x79: {  	[tilespmem:s25], [sflag:$0x3] =	stream.indirect.gather [hbm4b:s5+s21], $0x80, s29, s21, $0xb8;
	[tilespmem:$0x1E800] =	vst v63  }
0x7a: {  	s26 =	simm.s32 $0xA8  }
0x7b: {  	[tilespmem:s28], [sflag:$0x4] =	stream.indirect.gather [hbm4b:s5+s21], $0x80, s26, s21, $0xb8;
	[tilespmem:$0x1E800] =	vst v63  }
0x7c: {  	s29 =	simm.s32 $0x100  }
0x7d: {  	[tilespmem:s30], [sflag:$0x5] =	stream.indirect.gather [hbm4b:s5+s21], $0x80, s29, s21, $0xb8;
	[tilespmem:$0x1E800] =	vst v63  }
0x7e: {  	_ = 	snop  }
0x7f: {  	[tilespmem:s0], [sflag:$0x6] =	stream.indirect.gather [hbm4b:s5+s21], $0x80, s31, s21, $0xb8;
	[tilespmem:$0x1E800] =	vst v63  }
0x80: {  	_ =	swait.ge [sflag:s4], $0x1400  }
0x81: {  	[sflag:s4] =	ssyncset.done $0x0  }
0x82: {  	[sflag:s4] =	ssyncadd.s32 $0xFFFFEC00  }
0x83: {  	_ =	swait.ge [sflag:s9], $0x1400  }
0x84: {  	[sflag:s9] =	ssyncset.done $0x0  }
0x85: {  	s26 =	simm.s32 $0x2000;
	[sflag:s9] =	ssyncadd.s32 $0xFFFFEC00  }
0x86: {  	[spmem:s2] =	stream.indirect.scatter.add.f32 [tilespmem:s17], [sflag:$0x7], $0x80, s26, s10, $0xb8;
	[tilespmem:$0x1E800] =	vst v63  }
0x87: {  	_ =	swait.ge [sflag:s18], $0x2800  }
0x88: {  	[sflag:s18] =	ssyncset.done $0x0  }
0x89: {  	s29 =	simm.s32 $0x180;
	[sflag:s18] =	ssyncadd.s32 $0xFFFFD800  }
0x8a: {  	[tilespmem:s17], [sflag:$0x1] =	stream.indirect.gather [hbm4b:s5+s21], $0x80, s29, s21, $0xb8;
	[tilespmem:$0x1E800] =	vst v63  }
0x8b: {  	s26 =	simm.s32 $0x1A8  }
0x8c: {  	[tilespmem:s22], [sflag:$0x2] =	stream.indirect.gather [hbm4b:s5+s21], $0x80, s26, s21, $0xb8;
	[tilespmem:$0x1E800] =	vst v63  }
0x8d: {  	_ =	swait.ge [sflag:s11], $0x1400  }
0x8e: {  	[sflag:s11] =	ssyncset.done $0x0  }
0x8f: {  	[sflag:s11] =	ssyncadd.s32 $0xFFFFEC00  }
0x90: {  	_ =	swait.ge [sflag:s12], $0x1400  }
0x91: {  	[sflag:s12] =	ssyncset.done $0x0  }
0x92: {  	s29 =	simm.s32 $0x2080;
	[sflag:s12] =	ssyncadd.s32 $0xFFFFEC00  }
0x93: {  	[spmem:s2] =	stream.indirect.scatter.add.f32 [tilespmem:s25], [sflag:$0x7], $0x80, s29, s10, $0xb8;
	[tilespmem:$0x1E800] =	vst v63  }
0x94: {  	_ =	swait.ge [sflag:s18], $0x2800  }
0x95: {  	[sflag:s18] =	ssyncset.done $0x0  }
0x96: {  	s26 =	simm.s32 $0x200;
	[sflag:s18] =	ssyncadd.s32 $0xFFFFD800  }
0x97: {  	[tilespmem:s25], [sflag:$0x3] =	stream.indirect.gather [hbm4b:s5+s21], $0x80, s26, s21, $0xb8;
	[tilespmem:$0x1E800] =	vst v63  }
0x98: {  	s29 =	simm.s32 $0x228  }
0x99: {  	[tilespmem:s28], [sflag:$0x4] =	stream.indirect.gather [hbm4b:s5+s21], $0x80, s29, s21, $0xb8;
	[tilespmem:$0x1E800] =	vst v63  }
0x9a: {  	_ =	swait.ge [sflag:s13], $0x1400  }
0x9b: {  	[sflag:s13] =	ssyncset.done $0x0  }
0x9c: {  	[sflag:s13] =	ssyncadd.s32 $0xFFFFEC00  }
0x9d: {  	_ =	swait.ge [sflag:s14], $0x1400  }
0x9e: {  	[sflag:s14] =	ssyncset.done $0x0  }
0x9f: {  	s26 =	simm.s32 $0x2100;
	[sflag:s14] =	ssyncadd.s32 $0xFFFFEC00  }
0xa0: {  	[spmem:s2] =	stream.indirect.scatter.add.f32 [tilespmem:s30], [sflag:$0x7], $0x80, s26, s10, $0xb8;
	[tilespmem:$0x1E800] =	vst v63  }
0xa1: {  	_ =	swait.ge [sflag:s18], $0x2800  }
0xa2: {  	s23 =	simm.s32 $0x600;
	[sflag:s18] =	ssyncset.done $0x0  }
0xa3: {  	s29 =	simm.s32 $0x280;
	s26 =	simm.s32 $0x2A8;
	[sflag:s18] =	ssyncadd.s32 $0xFFFFD800  }
0xa4: {  	[tilespmem:s30], [sflag:$0x5] =	stream.indirect.gather [hbm4b:s5+s21], $0x80, s29, s21, $0xb8;
	[tilespmem:$0x1E800] =	vst v63  }
.LBB2_7:
0xa5: {  	[tilespmem:s0], [sflag:$0x6] =	stream.indirect.gather [hbm4b:s5+s21], $0x80, s26, s21, $0xb8;
	[tilespmem:$0x1E800] =	vst v63  }
0xa6: {  	s26 =	smov.u32 s23  }
0xa7: {  	p0 =	sne.s32 s23, $0x2400;
	s23 =	sadd.s32 $0x600, s23;
	_ =	swait.ge [sflag:s4], $0x1400  }
0xa8: {  	[sflag:s4] =	ssyncset.done $0x0  }
0xa9: {  	[sflag:s4] =	ssyncadd.s32 $0xFFFFEC00  }
0xaa: {  	_ =	swait.ge [sflag:s9], $0x1400  }
0xab: {  	s26 =	sshra.s32 s26, $0x2;
	[sflag:s9] =	ssyncset.done $0x0  }
0xac: {  	s29 =	sadd.s32 $0x2000, s26;
	[sflag:s9] =	ssyncadd.s32 $0xFFFFEC00  }
0xad: {  	[spmem:s2] =	stream.indirect.scatter.add.f32 [tilespmem:s17], [sflag:$0x7], $0x80, s29, s10, $0xb8;
	[tilespmem:$0x1E800] =	vst v63  }
0xae: {  	_ =	swait.ge [sflag:s18], $0x2800  }
0xaf: {  	[sflag:s18] =	ssyncset.done $0x0  }
0xb0: {  	s29 =	sadd.s32 $0x180, s26;
	[sflag:s18] =	ssyncadd.s32 $0xFFFFD800  }
0xb1: {  	[tilespmem:s17], [sflag:$0x1] =	stream.indirect.gather [hbm4b:s5+s21], $0x80, s29, s21, $0xb8;
	[tilespmem:$0x1E800] =	vst v63  }
0xb2: {  	s29 =	sadd.s32 $0x1A8, s26  }
0xb3: {  	[tilespmem:s22], [sflag:$0x2] =	stream.indirect.gather [hbm4b:s5+s21], $0x80, s29, s21, $0xb8;
	[tilespmem:$0x1E800] =	vst v63  }
0xb4: {  	_ =	swait.ge [sflag:s11], $0x1400  }
0xb5: {  	[sflag:s11] =	ssyncset.done $0x0  }
0xb6: {  	[sflag:s11] =	ssyncadd.s32 $0xFFFFEC00  }
0xb7: {  	_ =	swait.ge [sflag:s12], $0x1400  }
0xb8: {  	[sflag:s12] =	ssyncset.done $0x0  }
0xb9: {  	s29 =	sadd.s32 $0x2080, s26;
	[sflag:s12] =	ssyncadd.s32 $0xFFFFEC00  }
0xba: {  	[spmem:s2] =	stream.indirect.scatter.add.f32 [tilespmem:s25], [sflag:$0x7], $0x80, s29, s10, $0xb8;
	[tilespmem:$0x1E800] =	vst v63  }
0xbb: {  	_ =	swait.ge [sflag:s18], $0x2800  }
0xbc: {  	[sflag:s18] =	ssyncset.done $0x0  }
0xbd: {  	s29 =	sadd.s32 $0x200, s26;
	[sflag:s18] =	ssyncadd.s32 $0xFFFFD800  }
0xbe: {  	[tilespmem:s25], [sflag:$0x3] =	stream.indirect.gather [hbm4b:s5+s21], $0x80, s29, s21, $0xb8;
	[tilespmem:$0x1E800] =	vst v63  }
0xbf: {  	s29 =	sadd.s32 $0x228, s26  }
0xc0: {  	[tilespmem:s28], [sflag:$0x4] =	stream.indirect.gather [hbm4b:s5+s21], $0x80, s29, s21, $0xb8;
	[tilespmem:$0x1E800] =	vst v63  }
0xc1: {  	_ =	swait.ge [sflag:s13], $0x1400  }
0xc2: {  	[sflag:s13] =	ssyncset.done $0x0  }
0xc3: {  	[sflag:s13] =	ssyncadd.s32 $0xFFFFEC00  }
0xc4: {  	_ =	swait.ge [sflag:s14], $0x1400  }
0xc5: {  	[sflag:s14] =	ssyncset.done $0x0  }
0xc6: {  	s29 =	sadd.s32 $0x2100, s26;
	[sflag:s14] =	ssyncadd.s32 $0xFFFFEC00  }
0xc7: {  	[spmem:s2] =	stream.indirect.scatter.add.f32 [tilespmem:s30], [sflag:$0x7], $0x80, s29, s10, $0xb8;
	[tilespmem:$0x1E800] =	vst v63  }
.Ltmp2:
0xc8: {  	_ =	swait.ge [sflag:s18], $0x2800;
	(pc) =	sbr.rel @p0 .LBB2_7-.Ltmp2, $4  }
0xc9: {  	[sflag:s18] =	ssyncset.done $0x0  }
0xca: {  	s29 =	sadd.s32 $0x280, s26;
	[sflag:s18] =	ssyncadd.s32 $0xFFFFD800  }
0xcb: {  	[tilespmem:s30], [sflag:$0x5] =	stream.indirect.gather [hbm4b:s5+s21], $0x80, s29, s21, $0xb8;
	[tilespmem:$0x1E800] =	vst v63  }
0xcc: {  	s26 =	sadd.s32 $0x2A8, s26  }
0xcd: {  	[tilespmem:s0], [sflag:$0x6] =	stream.indirect.gather [hbm4b:s5+s21], $0x80, s26, s21, $0xb8;
	[tilespmem:$0x1E800] =	vst v63  }
0xce: {  	_ =	swait.ge [sflag:s4], $0x1400  }
0xcf: {  	[sflag:s4] =	ssyncset.done $0x0  }
0xd0: {  	[sflag:s4] =	ssyncadd.s32 $0xFFFFEC00  }
0xd1: {  	_ =	swait.ge [sflag:s9], $0x1400  }
0xd2: {  	[sflag:s9] =	ssyncset.done $0x0  }
0xd3: {  	[sflag:s9] =	ssyncadd.s32 $0xFFFFEC00  }
0xd4: {  	[spmem:s2] =	stream.indirect.scatter.add.f32 [tilespmem:s17], [sflag:$0x7], $0x80, s15, s10, $0xb8;
	[tilespmem:$0x1E800] =	vst v63  }
0xd5: {  	_ =	swait.ge [sflag:s18], $0x2800  }
0xd6: {  	[sflag:s18] =	ssyncset.done $0x0  }
0xd7: {  	[sflag:s18] =	ssyncadd.s32 $0xFFFFD800  }
0xd8: {  	[tilespmem:s17], [sflag:$0x1] =	stream.indirect.gather [hbm4b:s5+s21], $0x80, s16, s21, $0xb8;
	[tilespmem:$0x1E800] =	vst v63  }
0xd9: {  	_ = 	snop  }
0xda: {  	[tilespmem:s22], [sflag:$0x2] =	stream.indirect.gather [hbm4b:s5+s21], $0x80, s24, s21, $0xb8;
	[tilespmem:$0x1E800] =	vst v63  }
0xdb: {  	_ =	swait.ge [sflag:s11], $0x1400  }
0xdc: {  	[sflag:s11] =	ssyncset.done $0x0  }
0xdd: {  	[sflag:s11] =	ssyncadd.s32 $0xFFFFEC00  }
0xde: {  	_ =	swait.ge [sflag:s12], $0x1400  }
0xdf: {  	[sflag:s12] =	ssyncset.done $0x0  }
0xe0: {  	[sflag:s12] =	ssyncadd.s32 $0xFFFFEC00  }
0xe1: {  	[spmem:s2] =	stream.indirect.scatter.add.f32 [tilespmem:s25], [sflag:$0x7], $0x80, s8, s10, $0xb8;
	[tilespmem:$0x1E800] =	vst v63  }
0xe2: {  	_ =	swait.ge [sflag:s18], $0x2800  }
0xe3: {  	[sflag:s18] =	ssyncset.done $0x0  }
0xe4: {  	[sflag:s18] =	ssyncadd.s32 $0xFFFFD800  }
0xe5: {  	_ =	swait.ge [sflag:s13], $0x1400  }
0xe6: {  	[sflag:s13] =	ssyncset.done $0x0  }
0xe7: {  	[sflag:s13] =	ssyncadd.s32 $0xFFFFEC00  }
0xe8: {  	_ =	swait.ge [sflag:s14], $0x1400  }
0xe9: {  	[sflag:s14] =	ssyncset.done $0x0  }
0xea: {  	[sflag:s14] =	ssyncadd.s32 $0xFFFFEC00  }
0xeb: {  	[spmem:s2] =	stream.indirect.scatter.add.f32 [tilespmem:s30], [sflag:$0x7], $0x80, s3, s10, $0xb8;
	[tilespmem:$0x1E800] =	vst v63  }
0xec: {  	_ =	swait.ge [sflag:s18], $0x2800  }
0xed: {  	[sflag:s18] =	ssyncset.done $0x0  }
0xee: {  	[sflag:s18] =	ssyncadd.s32 $0xFFFFD800  }
0xef: {  	_ =	swait.ge [sflag:s4], $0x1400  }
0xf0: {  	[sflag:s4] =	ssyncset.done $0x0  }
0xf1: {  	[sflag:s4] =	ssyncadd.s32 $0xFFFFEC00  }
0xf2: {  	s20 =	sadd.s32 $0x1, s20;
	_ =	swait.ge [sflag:s9], $0x1400  }
0xf3: {  	p0 =	sne.s32 s20, $0x5;
	[sflag:s9] =	ssyncset.done $0x0  }
.Ltmp3:
0xf4: {  	[sflag:s9] =	ssyncadd.s32 $0xFFFFEC00;
	(pc) =	sbr.rel @p0 .LBB2_4-.Ltmp3, $4  }
0xf5: {  	[spmem:s2] =	stream.indirect.scatter.add.f32 [tilespmem:s17], [sflag:$0x7], $0x80, s1, s10, $0xb8;
	[tilespmem:$0x1E800] =	vst v63  }
0xf6: {  	_ =	swait.ge [sflag:s18], $0x2800  }
0xf7: {  	[sflag:s18] =	ssyncset.done $0x0  }
0xf8: {  	[sflag:s18] =	ssyncadd.s32 $0xFFFFD800  }
0xf9: {  	s19 =	stileid.u32;
	[bflag:$0x0] =	sbarrier.arrive $0xFFFF  }
0xfa: {  	s19 =	sshll.u32 s19, $0x6;
	s23 =	rddreg [dreg:$0x5]  }
0xfb: {  	s26 =	rddreg [dreg:$0xe];
	s19 =	sor.u32 $0x1C07, s19;
	s20 =	sshrl.u32 s23, $0x3  }
0xfc: {  	[hbm:s26], [sflag:s19] =	dma.local [spmem:s20], $0x2800  }
0xfd: {  	_ =	swait.ge [sflag:s18], $0x2800  }
0xfe: {  	s26 =	rddreg [dreg:$0x4]  }
0xff: {  	s29 =	rddreg [dreg:$0x6];
	s19 =	sadd.s32 $0x1, s26  }
0x100: {  	p0 =	sne.s32 s19, s29  }
.Ltmp4:
0x101: {  	_ = 	snop;
	(pc) =	sbr.rel @p0 .LBB2_1-.Ltmp4, $3  }
0x102: {  	_ =	sdelay $0x1  }
0x103: {  	[sflag:s18] =	ssyncset.done $0x0  }
0x104: {  	[sflag:s18] =	ssyncadd.s32 $0xFFFFD800  }
0x105: {  	_ =	sfence.sel $0x180000  }
0x106: {  	[bflag:$0x0] =	sbarrier.arrive $0xFFFF  }
0x107: {  	_ =	strace $0x90000047  }
0x108: {  	s0 =	stileid.u32;
	[bflag:$0x2] =	sbarrier.arrive $0xFFFF  }
0x109: {  	p0 =	sne.s32 s0, $0x0;
	s0 =	rddreg [dreg:$0x3]  }
0x10a: {  	s0 =	sadd.s32 @!p0 $0x100000, s0  }
0x10b: {  	[sflag:s0] =	ssyncadd.tile.s32 @!p0 $0x1;
	_ =	shalt  }
.Lfunc_end2:
_tile_overlayer_lowered:
.L_overlay_start_2:
0x10c: {  	(tag) =	ssettag $0x2  }
0x10d: {  	s0 =	rddreg [dreg:$0x0];
	s2 =	stileid.u32  }
0x10e: {  	s1 =	rddreg [dreg:$0x1];
	p0 =	sne.s32 s2, $0x0  }
0x10f: {  	s3 =	rddreg [dreg:$0x2];
	[bflag:$0x3] =	sbarrier.arrive $0xFFFF;
	s2 =	simm.s32 @!p0 $0x1C07  }
0x110: {  	[timem:s3], [sflag:s2] =	dma.local @!p0 [hbm:s0], s1  }
0x111: {  	s0 =	simm.s32 @!p0 $0x7  }
0x112: {  	_ =	swait.ge @!p0 [sflag:s0], s1  }
0x113: {  	s1 =	ssub.s32 @!p0 $0x0, s1;
	[sflag:s0] =	ssyncset.done @!p0 $0x0  }
0x114: {  	[sflag:s0] =	ssyncadd.s32 @!p0 s1  }
0x115: {  	[bflag:$0x3] =	sbarrier.arrive $0xFFFF  }
0x116: {  	_ =	shalt  }

</sc_bundles>
